<compile_context>
chip_gen: v7x
topology: tpu7x:2x2x1
jax: 0.10.2.dev20260603
libtpu: 0.0.44.dev20260713+nightly
codegen_flags: <defaults>
</compile_context>

<pallas_src>
import functools

import jax
import jax.numpy as jnp
from jax import lax
from jax.experimental import pallas as pl
from jax.experimental.pallas import tpu as pltpu
from jax.experimental.pallas import tpu_sc as plsc

N = 10000
E = 160000
D_IN = 256
D_HID = 256
D_OUT = 128

NC = 2
NS = 16
CHUNK = 80
E1P = 32 * 63 * CHUNK
NP = 10240
ROWS_PT = NP // NS

RBLK = 1000
NB = N // RBLK



@functools.lru_cache(maxsize=None)
def _make_sc_agg(dh, chunk, feature_split):
  mesh = plsc.VectorSubcoreMesh(core_axis_name="c", subcore_axis_name="s",
                                num_cores=NC, num_subcores=NS)
  out_type = jax.ShapeDtypeStruct((NC * NP, dh), jnp.float32)
  nbuf = 3 if feature_split else 2
  scratch = []
  for _ in range(nbuf):
    scratch += [
        pltpu.VMEM((chunk,), jnp.int32),
        pltpu.VMEM((chunk,), jnp.int32),
        pltpu.VMEM((chunk, dh), jnp.float32),
    ]
  scratch += [pltpu.VMEM_SHARED((NP, dh), jnp.float32)]
  scratch += [pltpu.SemaphoreType.DMA] * nbuf
  ept = E // NS if feature_split else E1P // (NC * NS)
  nchunk = ept // chunk
  assert ept % chunk == 0
  if nbuf == 3:
    m = (nchunk - 2) // 3
    assert nchunk == 3 * m + 2
  else:
    m = (nchunk - 1) // 2
    assert nchunk == 2 * m + 1

  def body(table, src, dst, zacc, out, *rest):
    bufs = [tuple(rest[3 * b:3 * b + 3]) for b in range(nbuf)]
    acc = rest[3 * nbuf]
    sems = rest[3 * nbuf + 1:]
    c = lax.axis_index("c")
    s = lax.axis_index("s")
    rbase = s * ROWS_PT

    pltpu.sync_copy(zacc.at[pl.ds(rbase, ROWS_PT)], acc.at[pl.ds(rbase, ROWS_PT)])
    plsc.subcore_barrier()

    if feature_split:
      ebase = s * ept
      roff = c * N
    else:
      ebase = (c * NS + s) * ept

    def start(i, b):
      sb, db, rb = bufs[b]
      off = ebase + i * chunk
      pltpu.sync_copy(src.at[pl.ds(off, chunk)], sb)
      pltpu.sync_copy(dst.at[pl.ds(off, chunk)], db)
      if feature_split:
        for j in range(chunk // 16):
          sl = pl.ds(j * 16, 16)
          sb[sl] = sb[sl] + roff
      pltpu.async_copy(table.at[sb], rb, sems[b])

    def drain(b):
      sb, db, rb = bufs[b]
      pltpu.make_async_copy(table.at[sb], rb, sems[b]).wait()
      pltpu.sync_copy(rb, acc.at[db], add=True)

    if nbuf == 3:
      start(0, 0)
      start(1, 1)

      def loop_body(k, carry):
        start(3 * k + 2, 2)
        drain(0)
        start(3 * k + 3, 0)
        drain(1)
        start(3 * k + 4, 1)
        drain(2)
        return carry

      lax.fori_loop(0, m, loop_body, 0)
      drain(0)
      drain(1)
    else:
      start(0, 0)

      def loop_body(k, carry):
        start(2 * k + 1, 1)
        drain(0)
        start(2 * k + 2, 0)
        drain(1)
        return carry

      lax.fori_loop(0, m, loop_body, 0)
      drain(0)
    plsc.subcore_barrier()

    pltpu.sync_copy(acc.at[pl.ds(rbase, ROWS_PT)],
                    out.at[pl.ds(c * NP + rbase, ROWS_PT)])

  return functools.partial(
      pl.kernel, mesh=mesh, out_type=out_type, scratch_types=scratch
  )(body)


CCHUNK = 80


@functools.lru_cache(maxsize=None)
def _make_sc_cnt():
  mesh = plsc.VectorSubcoreMesh(core_axis_name="c", subcore_axis_name="s",
                                num_cores=NC, num_subcores=NS)
  out_type = jax.ShapeDtypeStruct((NC * NP, 128), jnp.float32)
  scratch = [
      pltpu.VMEM((CCHUNK,), jnp.int32),
      pltpu.VMEM((CCHUNK,), jnp.int32),
      pltpu.VMEM((CCHUNK, 128), jnp.float32),
      pltpu.VMEM_SHARED((NP, 128), jnp.float32),
      pltpu.SemaphoreType.DMA,
      pltpu.SemaphoreType.DMA,
  ]
  ept = E1P // (NC * NS)
  nchunk = ept // CCHUNK

  pairs = (nchunk - 1) // 2
  assert nchunk == 2 * pairs + 1

  def body(dst, zacc, ones_h, out, db0, db1, ones_v, acc, sem0, sem1):
    c = lax.axis_index("c")
    s = lax.axis_index("s")
    rbase = s * ROWS_PT
    pltpu.sync_copy(zacc.at[pl.ds(rbase, ROWS_PT)], acc.at[pl.ds(rbase, ROWS_PT)])
    pltpu.sync_copy(ones_h, ones_v)
    plsc.subcore_barrier()
    ebase = (c * NS + s) * ept

    def start(i, db, sem):
      pltpu.sync_copy(dst.at[pl.ds(ebase + i * CCHUNK, CCHUNK)], db)
      pltpu.async_copy(ones_v, acc.at[db], sem, add=True)

    def drain(db, sem):
      pltpu.make_async_copy(ones_v, acc.at[db], sem).wait()

    start(0, db0, sem0)

    def pair_body(k, carry):
      start(2 * k + 1, db1, sem1)
      drain(db0, sem0)
      start(2 * k + 2, db0, sem0)
      drain(db1, sem1)
      return carry

    lax.fori_loop(0, pairs, pair_body, 0)
    drain(db0, sem0)
    plsc.subcore_barrier()
    pltpu.sync_copy(acc.at[pl.ds(rbase, ROWS_PT)],
                    out.at[pl.ds(c * NP + rbase, ROWS_PT)])

  return functools.partial(
      pl.kernel, mesh=mesh, out_type=out_type, scratch_types=scratch
  )(body)



def _tca_body(x_ref, wl_ref, wr_ref, wres_ref, resb_ref,
              ycat_ref, xr_ref, res_ref):
  xb = x_ref[...]
  y = jnp.dot(xb, wl_ref[...], preferred_element_type=jnp.float32)
  ycat_ref[0] = y[:, : D_HID // 2]
  ycat_ref[1] = y[:, D_HID // 2:]
  xr_ref[...] = jnp.dot(xb, wr_ref[...], preferred_element_type=jnp.float32)
  res_ref[...] = (jnp.dot(xb, wres_ref[...], preferred_element_type=jnp.float32)
                  + resb_ref[...])


_tca = pl.pallas_call(
    _tca_body,
    grid=(NB,),
    in_specs=[
        pl.BlockSpec((RBLK, D_IN), lambda i: (i, 0)),
        pl.BlockSpec((D_IN, D_HID), lambda i: (0, 0)),
        pl.BlockSpec((D_IN, D_HID), lambda i: (0, 0)),
        pl.BlockSpec((D_IN, D_OUT), lambda i: (0, 0)),
        pl.BlockSpec((1, D_OUT), lambda i: (0, 0)),
    ],
    out_specs=[
        pl.BlockSpec((2, RBLK, D_HID // 2), lambda i: (0, i, 0)),
        pl.BlockSpec((RBLK, D_HID), lambda i: (i, 0)),
        pl.BlockSpec((RBLK, D_OUT), lambda i: (i, 0)),
    ],
    out_shape=[
        jax.ShapeDtypeStruct((2, N, D_HID // 2), jnp.float32),
        jax.ShapeDtypeStruct((N, D_HID), jnp.float32),
        jax.ShapeDtypeStruct((N, D_OUT), jnp.float32),
    ],
)


def _tcb_body(sum_ref, cnt_ref, xr_ref, bl0_ref, g_ref, b_ref,
              wl1_ref, wr1_ref, ycat_ref, hr_ref, h_s, stat_s):
  p = pl.program_id(0)
  i = pl.program_id(1)

  @pl.when(p == 0)
  def _():
    @pl.when(i == 0)
    def _():
      stat_s[...] = jnp.zeros_like(stat_s)

    inv = 1.0 / jnp.maximum(cnt_ref[0, :, 0:1] + cnt_ref[1, :, 0:1], 1.0)
    t = (jnp.concatenate([sum_ref[0], sum_ref[1]], axis=1) * inv
         + bl0_ref[...] + xr_ref[...])
    nrm = jnp.maximum(jnp.sqrt(jnp.sum(t * t, axis=1, keepdims=True)), 1e-12)
    t = t / nrm
    h_s[pl.ds(i * RBLK, RBLK), :] = t
    stat_s[0:1, :] += jnp.sum(t, axis=0, keepdims=True)
    stat_s[1:2, :] += jnp.sum(t * t, axis=0, keepdims=True)

  @pl.when(p == 1)
  def _():
    mu = stat_s[0:1, :] / N
    var = stat_s[1:2, :] / N - mu * mu
    t = h_s[pl.ds(i * RBLK, RBLK), :]
    t = g_ref[...] * (t - mu) * lax.rsqrt(var + 1e-5) + b_ref[...]
    t = jnp.maximum(t, 0.0)
    ycat_ref[...] = jnp.dot(t, wl1_ref[...], preferred_element_type=jnp.float32)
    hr_ref[...] = jnp.dot(t, wr1_ref[...], preferred_element_type=jnp.float32)


_tcb = pl.pallas_call(
    _tcb_body,
    grid=(2, NB),
    in_specs=[
        pl.BlockSpec((2, RBLK, D_HID // 2), lambda p, i: (0, i, 0)),
        pl.BlockSpec((2, RBLK, 8), lambda p, i: (0, i, 0)),
        pl.BlockSpec((RBLK, D_HID), lambda p, i: (i, 0)),
        pl.BlockSpec((1, D_HID), lambda p, i: (0, 0)),
        pl.BlockSpec((1, D_HID), lambda p, i: (0, 0)),
        pl.BlockSpec((1, D_HID), lambda p, i: (0, 0)),
        pl.BlockSpec((D_HID, D_OUT), lambda p, i: (0, 0)),
        pl.BlockSpec((D_HID, D_OUT), lambda p, i: (0, 0)),
    ],
    out_specs=[
        pl.BlockSpec((RBLK, D_OUT), lambda p, i: (i, 0)),
        pl.BlockSpec((RBLK, D_OUT), lambda p, i: (i, 0)),
    ],
    out_shape=[
        jax.ShapeDtypeStruct((N, D_OUT), jnp.float32),
        jax.ShapeDtypeStruct((N, D_OUT), jnp.float32),
    ],
    scratch_shapes=[
        pltpu.VMEM((N, D_HID), jnp.float32),
        pltpu.VMEM((2, D_HID), jnp.float32),
    ],
)


def _tcc_body(sum_ref, cnt_ref, hr_ref, res_ref, bl1_ref, out_ref):
  inv = 1.0 / jnp.maximum(cnt_ref[0, :, 0:1] + cnt_ref[1, :, 0:1], 1.0)
  t = (sum_ref[0] + sum_ref[1]) * inv + bl1_ref[...] + hr_ref[...]
  nrm = jnp.maximum(jnp.sqrt(jnp.sum(t * t, axis=1, keepdims=True)), 1e-12)
  t = t / nrm + res_ref[...]
  nrm = jnp.maximum(jnp.sqrt(jnp.sum(t * t, axis=1, keepdims=True)), 1e-12)
  out_ref[...] = t / nrm


_tcc = pl.pallas_call(
    _tcc_body,
    grid=(NB,),
    in_specs=[
        pl.BlockSpec((2, RBLK, D_OUT), lambda i: (0, i, 0)),
        pl.BlockSpec((2, RBLK, 8), lambda i: (0, i, 0)),
        pl.BlockSpec((RBLK, D_OUT), lambda i: (i, 0)),
        pl.BlockSpec((RBLK, D_OUT), lambda i: (i, 0)),
        pl.BlockSpec((1, D_OUT), lambda i: (0, 0)),
    ],
    out_specs=pl.BlockSpec((RBLK, D_OUT), lambda i: (i, 0)),
    out_shape=jax.ShapeDtypeStruct((N, D_OUT), jnp.float32),
)



def kernel(x, edge_index, Wl0, bl0, Wr0, gamma0, beta0, Wl1, bl1, Wr1,
           resW, resb):
  src = edge_index[0]
  dst = edge_index[1]
  src1 = jnp.concatenate([src, jnp.zeros((E1P - E,), jnp.int32)])
  dst1 = jnp.concatenate([dst, jnp.full((E1P - E,), N, jnp.int32)])

  ycat0, xr0, res = _tca(x, Wl0.T, Wr0.T, resW.T, resb.reshape(1, -1))

  zacc = jnp.zeros((NP, 128), jnp.float32)
  ones_h = jnp.ones((CCHUNK, 128), jnp.float32)
  cntcat = _make_sc_cnt()(dst1, zacc, ones_h)
  cnt8 = cntcat.reshape(NC, NP, 128)[:, :N, :8]

  sum0 = _make_sc_agg(128, CHUNK, True)(
      ycat0.reshape(NC * N, 128), src, dst, zacc)
  sum0 = sum0.reshape(NC, NP, 128)[:, :N, :]

  y1, hr1 = _tcb(sum0, cnt8, xr0,
                 bl0.reshape(1, -1), gamma0.reshape(1, -1),
                 beta0.reshape(1, -1), Wl1.T, Wr1.T)

  (sum1) = _make_sc_agg(128, CCHUNK, False)(y1, src1, dst1, zacc)
  sum1 = sum1.reshape(NC, NP, 128)[:, :N, :]

  return _tcc(sum1, cnt8, hr1, res, bl1.reshape(1, -1))

# --- scband reference (transcript-rebuilt; emitter-appended) ---
"""Pipeline reference for scband-graph-sage-od-39247411151463 (READ-ONLY COPY).

The authoritative reference and input builder live on the scoring server;
editing this copy changes nothing except your own understanding.
"""

import jax, jax.numpy as jnp
import numpy as np

N = 10000
E = 160000
D_IN = 256
D_HID = 256
D_OUT = 128


def _l2norm(h):
    nrm = jnp.maximum(jnp.linalg.norm(h, axis=-1, keepdims=True), 1e-12)
    return h / nrm


def _sage_conv(x, edge_index, Wl, bl, Wr, num_nodes):
    # PyG SAGEConv(aggr='mean', normalize=True):
    #   out = lin_l(mean_{j->i} x_j) + lin_r(x_i); out = l2_normalize(out)
    src = edge_index[0]
    dst = edge_index[1]
    msgs = jnp.take(x, src, axis=0)
    summed = jax.ops.segment_sum(msgs, dst, num_segments=num_nodes)
    cnt = jax.ops.segment_sum(jnp.ones((edge_index.shape[1],), x.dtype), dst, num_segments=num_nodes)
    mean = summed / jnp.maximum(cnt, 1.0)[:, None]
    out = mean @ Wl.T + bl + x @ Wr.T
    return _l2norm(out)


def setup_inputs(seed: int = 0) -> dict:
    key = jax.random.key(seed)
    ks = jax.random.split(key, 12)
    x = jax.random.normal(ks[0], (N, D_IN), dtype=jnp.float32)
    edge_index = jax.random.randint(ks[1], (2, E), 0, N, dtype=jnp.int32)
    s = 0.05
    return {
        'x': x,
        'edge_index': edge_index,
        'Wl0': jax.random.normal(ks[2], (D_HID, D_IN), jnp.float32) * s,
        'bl0': jnp.zeros((D_HID,), jnp.float32),
        'Wr0': jax.random.normal(ks[3], (D_HID, D_IN), jnp.float32) * s,
        'gamma0': jnp.ones((D_HID,), jnp.float32),
        'beta0': jnp.zeros((D_HID,), jnp.float32),
        'Wl1': jax.random.normal(ks[4], (D_OUT, D_HID), jnp.float32) * s,
        'bl1': jnp.zeros((D_OUT,), jnp.float32),
        'Wr1': jax.random.normal(ks[5], (D_OUT, D_HID), jnp.float32) * s,
        'resW': jax.random.normal(ks[6], (D_OUT, D_IN), jnp.float32) * s,
        'resb': jnp.zeros((D_OUT,), jnp.float32),
    }


def reference(x, edge_index, Wl0, bl0, Wr0, gamma0, beta0, Wl1, bl1, Wr1, resW, resb):
    x_input = x
    # layer 0 (SAGEConv mean, normalize=True)
    h = _sage_conv(x, edge_index, Wl0, bl0, Wr0, N)
    # BatchNorm1d (training-mode batch stats, biased var)
    mu = jnp.mean(h, axis=0)
    var = jnp.var(h, axis=0)
    h = gamma0 * (h - mu) / jnp.sqrt(var + 1e-5) + beta0
    # activation + dropout(p=0.0 -> identity)
    h = jax.nn.relu(h)
    # layer 1
    h = _sage_conv(h, edge_index, Wl1, bl1, Wr1, N)
    # residual projection (input_dim != output_dim)
    res = x_input @ resW.T + resb
    h = h + res
    # final F.normalize(p=2, dim=1)
    return _l2norm(h)

if __name__ == "__main__":
    import jax
    _d = setup_inputs()
    print(jax.jit(kernel)(*tuple(_d.values())))

</pallas_src>

<mosaic_0001>
#map = affine_map<(d0, d1) -> (0, 0)>
#map1 = affine_map<(d0, d1) -> (0)>
module attributes {stable_mosaic.version = 14 : i64} {
  func.func @body(%arg0: i32, %arg1: i32, %arg2: memref<20000x128xf32, #tpu.memory_space<hbm>>, %arg3: memref<160000xi32, #tpu.memory_space<hbm>>, %arg4: memref<160000xi32, #tpu.memory_space<hbm>>, %arg5: memref<10240x128xf32, #tpu.memory_space<hbm>>, %arg6: memref<20480x128xf32, #tpu.memory_space<hbm>>, %arg7: memref<80xi32, #tpu.memory_space<vmem>>, %arg8: memref<80xi32, #tpu.memory_space<vmem>>, %arg9: memref<80x128xf32, #tpu.memory_space<vmem>>, %arg10: memref<80xi32, #tpu.memory_space<vmem>>, %arg11: memref<80xi32, #tpu.memory_space<vmem>>, %arg12: memref<80x128xf32, #tpu.memory_space<vmem>>, %arg13: memref<80xi32, #tpu.memory_space<vmem>>, %arg14: memref<80xi32, #tpu.memory_space<vmem>>, %arg15: memref<80x128xf32, #tpu.memory_space<vmem>>, %arg16: memref<10240x128xf32, #tpu.memory_space<vmem_shared>>, %arg17: memref<!tpu.dma_semaphore, #tpu.memory_space<semaphore_mem>>, %arg18: memref<!tpu.dma_semaphore, #tpu.memory_space<semaphore_mem>>, %arg19: memref<!tpu.dma_semaphore, #tpu.memory_space<semaphore_mem>>) attributes {dimension_semantics = [#tpu.dimension_semantics<core_parallel>, #tpu.dimension_semantics<subcore_parallel>], iteration_bounds = array<i64: 2, 16>, scalar_prefetch = 0 : i64, scratch_operands = 13 : i64, tpu.core_type = #tpu.core_type<sc_vector_subcore>, window_params = [{transform_indices = #map}, {transform_indices = #map1}, {transform_indices = #map1}, {transform_indices = #map}, {transform_indices = #map}]} {
    %mul3A = arith.constant 640 : i32
    %mul3A_0 = arith.muli %arg1, %mul3A : i32
    "tpu.region"() ({
      %run_scoped3A = tpu.sem_alloc : memref<!tpu.dma_semaphore, #tpu.memory_space<semaphore_mem>>
      %dma_start3A_115 = arith.constant 0 : i32
      %dma_start3A_116 = tpu.memref_slice %arg16[%mul3A_0, %dma_start3A_115] : memref<10240x128xf32, #tpu.memory_space<vmem_shared>> -> memref<640x128xf32, #tpu.memory_space<vmem_shared>>
      %dma_start3A_117 = arith.constant 0 : i32
      %dma_start3A_118 = tpu.memref_slice %arg5[%mul3A_0, %dma_start3A_117] : memref<10240x128xf32, #tpu.memory_space<hbm>> -> memref<640x128xf32, #tpu.memory_space<hbm>>
      tpu.enqueue_dma source(%dma_start3A_118 : memref<640x128xf32, #tpu.memory_space<hbm>>) target(%dma_start3A_116 : memref<640x128xf32, #tpu.memory_space<vmem_shared>>) target_semaphore(%run_scoped3A : memref<!tpu.dma_semaphore, #tpu.memory_space<semaphore_mem>>)
      %dma_wait3A_119 = arith.constant 0 : i32
      %dma_wait3A_120 = tpu.memref_slice %arg16[%mul3A_0, %dma_wait3A_119] : memref<10240x128xf32, #tpu.memory_space<vmem_shared>> -> memref<640x128xf32, #tpu.memory_space<vmem_shared>>
      %dma_wait3A_121 = arith.constant 0 : i32
      %dma_wait3A_122 = tpu.memref_slice %arg5[%mul3A_0, %dma_wait3A_121] : memref<10240x128xf32, #tpu.memory_space<hbm>> -> memref<640x128xf32, #tpu.memory_space<hbm>>
      tpu.wait_dma2 semaphore(%run_scoped3A : memref<!tpu.dma_semaphore, #tpu.memory_space<semaphore_mem>>) src(%dma_wait3A_122 : memref<640x128xf32, #tpu.memory_space<hbm>>) dst(%dma_wait3A_120 : memref<640x128xf32, #tpu.memory_space<vmem_shared>>)
      tpu.yield
    }) : () -> ()
    %barrier3A = arith.constant 0 : index
    tpu.barrier barrier_id(%barrier3A)
    %mul3A_1 = arith.constant 10000 : i32
    %mul3A_2 = arith.muli %arg1, %mul3A_1 : i32
    %mul3A_3 = arith.constant 10000 : i32
    %mul3A_4 = arith.muli %arg0, %mul3A_3 : i32
    %add3A = arith.constant 0 : i32
    %add3A_5 = arith.addi %mul3A_2, %add3A : i32
    "tpu.region"() ({
      %run_scoped3A = tpu.sem_alloc : memref<!tpu.dma_semaphore, #tpu.memory_space<semaphore_mem>>
      %dma_start3A_115 = tpu.memref_slice %arg3[%add3A_5] : memref<160000xi32, #tpu.memory_space<hbm>> -> memref<80xi32, #tpu.memory_space<hbm>>
      %dma_start3A_116 = tpu.memref_slice %arg3[%add3A_5] : memref<160000xi32, #tpu.memory_space<hbm>> -> memref<80xi32, #tpu.memory_space<hbm>>
      tpu.enqueue_dma source(%dma_start3A_116 : memref<80xi32, #tpu.memory_space<hbm>>) target(%arg7 : memref<80xi32, #tpu.memory_space<vmem>>) target_semaphore(%run_scoped3A : memref<!tpu.dma_semaphore, #tpu.memory_space<semaphore_mem>>)
      %dma_wait3A_117 = tpu.memref_slice %arg3[%add3A_5] : memref<160000xi32, #tpu.memory_space<hbm>> -> memref<80xi32, #tpu.memory_space<hbm>>
      %dma_wait3A_118 = tpu.memref_slice %arg3[%add3A_5] : memref<160000xi32, #tpu.memory_space<hbm>> -> memref<80xi32, #tpu.memory_space<hbm>>
      tpu.wait_dma2 semaphore(%run_scoped3A : memref<!tpu.dma_semaphore, #tpu.memory_space<semaphore_mem>>) src(%dma_wait3A_118 : memref<80xi32, #tpu.memory_space<hbm>>) dst(%arg7 : memref<80xi32, #tpu.memory_space<vmem>>)
      tpu.yield
    }) : () -> ()
    "tpu.region"() ({
      %run_scoped3A = tpu.sem_alloc : memref<!tpu.dma_semaphore, #tpu.memory_space<semaphore_mem>>
      %dma_start3A_115 = tpu.memref_slice %arg4[%add3A_5] : memref<160000xi32, #tpu.memory_space<hbm>> -> memref<80xi32, #tpu.memory_space<hbm>>
      %dma_start3A_116 = tpu.memref_slice %arg4[%add3A_5] : memref<160000xi32, #tpu.memory_space<hbm>> -> memref<80xi32, #tpu.memory_space<hbm>>
      tpu.enqueue_dma source(%dma_start3A_116 : memref<80xi32, #tpu.memory_space<hbm>>) target(%arg8 : memref<80xi32, #tpu.memory_space<vmem>>) target_semaphore(%run_scoped3A : memref<!tpu.dma_semaphore, #tpu.memory_space<semaphore_mem>>)
      %dma_wait3A_117 = tpu.memref_slice %arg4[%add3A_5] : memref<160000xi32, #tpu.memory_space<hbm>> -> memref<80xi32, #tpu.memory_space<hbm>>
      %dma_wait3A_118 = tpu.memref_slice %arg4[%add3A_5] : memref<160000xi32, #tpu.memory_space<hbm>> -> memref<80xi32, #tpu.memory_space<hbm>>
      tpu.wait_dma2 semaphore(%run_scoped3A : memref<!tpu.dma_semaphore, #tpu.memory_space<semaphore_mem>>) src(%dma_wait3A_118 : memref<80xi32, #tpu.memory_space<hbm>>) dst(%arg8 : memref<80xi32, #tpu.memory_space<vmem>>)
      tpu.yield
    }) : () -> ()
    %get3A = arith.constant 0 : index
    %get3A_6 = tpu.vector_load %arg7[%get3A] {strides = array<i32>} : memref<80xi32, #tpu.memory_space<vmem>>, vector<16xi32>,
    %get3A_7 = vector.shape_cast %get3A_6 : vector<16xi32> to vector<16xi32>
    %add3A_8 = vector.broadcast %mul3A_4 : i32 to vector<16xi32>
    %add3A_9 = arith.addi %get3A_7, %add3A_8 : vector<16xi32>
    %swap3A = arith.constant 0 : index
    %swap3A_10 = tpu.vector_load %arg7[%swap3A] {strides = array<i32>} : memref<80xi32, #tpu.memory_space<vmem>>, vector<16xi32>,
    %swap3A_11 = vector.shape_cast %swap3A_10 : vector<16xi32> to vector<16xi32>
    %swap3A_12 = vector.shape_cast %add3A_9 : vector<16xi32> to vector<16xi32>
    tpu.vector_store %arg7[%swap3A], %swap3A_12 {strides = array<i32>} : memref<80xi32, #tpu.memory_space<vmem>>, vector<16xi32>,
    %get3A_13 = arith.constant 16 : index
    %get3A_14 = tpu.vector_load %arg7[%get3A_13] {strides = array<i32>} : memref<80xi32, #tpu.memory_space<vmem>>, vector<16xi32>,
    %get3A_15 = vector.shape_cast %get3A_14 : vector<16xi32> to vector<16xi32>
    %add3A_16 = vector.broadcast %mul3A_4 : i32 to vector<16xi32>
    %add3A_17 = arith.addi %get3A_15, %add3A_16 : vector<16xi32>
    %swap3A_18 = arith.constant 16 : index
    %swap3A_19 = tpu.vector_load %arg7[%swap3A_18] {strides = array<i32>} : memref<80xi32, #tpu.memory_space<vmem>>, vector<16xi32>,
    %swap3A_20 = vector.shape_cast %swap3A_19 : vector<16xi32> to vector<16xi32>
    %swap3A_21 = vector.shape_cast %add3A_17 : vector<16xi32> to vector<16xi32>
    tpu.vector_store %arg7[%swap3A_18], %swap3A_21 {strides = array<i32>} : memref<80xi32, #tpu.memory_space<vmem>>, vector<16xi32>,
    %get3A_22 = arith.constant 32 : index
    %get3A_23 = tpu.vector_load %arg7[%get3A_22] {strides = array<i32>} : memref<80xi32, #tpu.memory_space<vmem>>, vector<16xi32>,
    %get3A_24 = vector.shape_cast %get3A_23 : vector<16xi32> to vector<16xi32>
    %add3A_25 = vector.broadcast %mul3A_4 : i32 to vector<16xi32>
    %add3A_26 = arith.addi %get3A_24, %add3A_25 : vector<16xi32>
    %swap3A_27 = arith.constant 32 : index
    %swap3A_28 = tpu.vector_load %arg7[%swap3A_27] {strides = array<i32>} : memref<80xi32, #tpu.memory_space<vmem>>, vector<16xi32>,
    %swap3A_29 = vector.shape_cast %swap3A_28 : vector<16xi32> to vector<16xi32>
    %swap3A_30 = vector.shape_cast %add3A_26 : vector<16xi32> to vector<16xi32>
    tpu.vector_store %arg7[%swap3A_27], %swap3A_30 {strides = array<i32>} : memref<80xi32, #tpu.memory_space<vmem>>, vector<16xi32>,
    %get3A_31 = arith.constant 48 : index
    %get3A_32 = tpu.vector_load %arg7[%get3A_31] {strides = array<i32>} : memref<80xi32, #tpu.memory_space<vmem>>, vector<16xi32>,
    %get3A_33 = vector.shape_cast %get3A_32 : vector<16xi32> to vector<16xi32>
    %add3A_34 = vector.broadcast %mul3A_4 : i32 to vector<16xi32>
    %add3A_35 = arith.addi %get3A_33, %add3A_34 : vector<16xi32>
    %swap3A_36 = arith.constant 48 : index
    %swap3A_37 = tpu.vector_load %arg7[%swap3A_36] {strides = array<i32>} : memref<80xi32, #tpu.memory_space<vmem>>, vector<16xi32>,
    %swap3A_38 = vector.shape_cast %swap3A_37 : vector<16xi32> to vector<16xi32>
    %swap3A_39 = vector.shape_cast %add3A_35 : vector<16xi32> to vector<16xi32>
    tpu.vector_store %arg7[%swap3A_36], %swap3A_39 {strides = array<i32>} : memref<80xi32, #tpu.memory_space<vmem>>, vector<16xi32>,
    %get3A_40 = arith.constant 64 : index
    %get3A_41 = tpu.vector_load %arg7[%get3A_40] {strides = array<i32>} : memref<80xi32, #tpu.memory_space<vmem>>, vector<16xi32>,
    %get3A_42 = vector.shape_cast %get3A_41 : vector<16xi32> to vector<16xi32>
    %add3A_43 = vector.broadcast %mul3A_4 : i32 to vector<16xi32>
    %add3A_44 = arith.addi %get3A_42, %add3A_43 : vector<16xi32>
    %swap3A_45 = arith.constant 64 : index
    %swap3A_46 = tpu.vector_load %arg7[%swap3A_45] {strides = array<i32>} : memref<80xi32, #tpu.memory_space<vmem>>, vector<16xi32>,
    %swap3A_47 = vector.shape_cast %swap3A_46 : vector<16xi32> to vector<16xi32>
    %swap3A_48 = vector.shape_cast %add3A_44 : vector<16xi32> to vector<16xi32>
    tpu.vector_store %arg7[%swap3A_45], %swap3A_48 {strides = array<i32>} : memref<80xi32, #tpu.memory_space<vmem>>, vector<16xi32>,
    %dma_start3A = arith.constant 0 : i32
    %dma_start3A_49 = arith.constant 0 : i32
    %dma_start3A_50 = tpu.memref_slice %arg2[%dma_start3A, %dma_start3A_49] : memref<20000x128xf32, #tpu.memory_space<hbm>> -> memref<20000x128xf32, #tpu.memory_space<hbm>>
    tpu.enqueue_indirect_dma source(%dma_start3A_50 : memref<20000x128xf32, #tpu.memory_space<hbm>>) target(%arg9 : memref<80x128xf32, #tpu.memory_space<vmem>>) offsets(%arg7 : memref<80xi32, #tpu.memory_space<vmem>>) semaphore(%arg17 : memref<!tpu.dma_semaphore, #tpu.memory_space<semaphore_mem>>)
    %add3A_51 = arith.constant 80 : i32
    %add3A_52 = arith.addi %mul3A_2, %add3A_51 : i32
    "tpu.region"() ({
      %run_scoped3A = tpu.sem_alloc : memref<!tpu.dma_semaphore, #tpu.memory_space<semaphore_mem>>
      %dma_start3A_115 = tpu.memref_slice %arg3[%add3A_52] : memref<160000xi32, #tpu.memory_space<hbm>> -> memref<80xi32, #tpu.memory_space<hbm>>
      %dma_start3A_116 = tpu.memref_slice %arg3[%add3A_52] : memref<160000xi32, #tpu.memory_space<hbm>> -> memref<80xi32, #tpu.memory_space<hbm>>
      tpu.enqueue_dma source(%dma_start3A_116 : memref<80xi32, #tpu.memory_space<hbm>>) target(%arg10 : memref<80xi32, #tpu.memory_space<vmem>>) target_semaphore(%run_scoped3A : memref<!tpu.dma_semaphore, #tpu.memory_space<semaphore_mem>>)
      %dma_wait3A_117 = tpu.memref_slice %arg3[%add3A_52] : memref<160000xi32, #tpu.memory_space<hbm>> -> memref<80xi32, #tpu.memory_space<hbm>>
      %dma_wait3A_118 = tpu.memref_slice %arg3[%add3A_52] : memref<160000xi32, #tpu.memory_space<hbm>> -> memref<80xi32, #tpu.memory_space<hbm>>
      tpu.wait_dma2 semaphore(%run_scoped3A : memref<!tpu.dma_semaphore, #tpu.memory_space<semaphore_mem>>) src(%dma_wait3A_118 : memref<80xi32, #tpu.memory_space<hbm>>) dst(%arg10 : memref<80xi32, #tpu.memory_space<vmem>>)
      tpu.yield
    }) : () -> ()
    "tpu.region"() ({
      %run_scoped3A = tpu.sem_alloc : memref<!tpu.dma_semaphore, #tpu.memory_space<semaphore_mem>>
      %dma_start3A_115 = tpu.memref_slice %arg4[%add3A_52] : memref<160000xi32, #tpu.memory_space<hbm>> -> memref<80xi32, #tpu.memory_space<hbm>>
      %dma_start3A_116 = tpu.memref_slice %arg4[%add3A_52] : memref<160000xi32, #tpu.memory_space<hbm>> -> memref<80xi32, #tpu.memory_space<hbm>>
      tpu.enqueue_dma source(%dma_start3A_116 : memref<80xi32, #tpu.memory_space<hbm>>) target(%arg11 : memref<80xi32, #tpu.memory_space<vmem>>) target_semaphore(%run_scoped3A : memref<!tpu.dma_semaphore, #tpu.memory_space<semaphore_mem>>)
      %dma_wait3A_117 = tpu.memref_slice %arg4[%add3A_52] : memref<160000xi32, #tpu.memory_space<hbm>> -> memref<80xi32, #tpu.memory_space<hbm>>
      %dma_wait3A_118 = tpu.memref_slice %arg4[%add3A_52] : memref<160000xi32, #tpu.memory_space<hbm>> -> memref<80xi32, #tpu.memory_space<hbm>>
      tpu.wait_dma2 semaphore(%run_scoped3A : memref<!tpu.dma_semaphore, #tpu.memory_space<semaphore_mem>>) src(%dma_wait3A_118 : memref<80xi32, #tpu.memory_space<hbm>>) dst(%arg11 : memref<80xi32, #tpu.memory_space<vmem>>)
      tpu.yield
    }) : () -> ()
    %get3A_53 = arith.constant 0 : index
    %get3A_54 = tpu.vector_load %arg10[%get3A_53] {strides = array<i32>} : memref<80xi32, #tpu.memory_space<vmem>>, vector<16xi32>,
    %get3A_55 = vector.shape_cast %get3A_54 : vector<16xi32> to vector<16xi32>
    %add3A_56 = vector.broadcast %mul3A_4 : i32 to vector<16xi32>
    %add3A_57 = arith.addi %get3A_55, %add3A_56 : vector<16xi32>
    %swap3A_58 = arith.constant 0 : index
    %swap3A_59 = tpu.vector_load %arg10[%swap3A_58] {strides = array<i32>} : memref<80xi32, #tpu.memory_space<vmem>>, vector<16xi32>,
    %swap3A_60 = vector.shape_cast %swap3A_59 : vector<16xi32> to vector<16xi32>
    %swap3A_61 = vector.shape_cast %add3A_57 : vector<16xi32> to vector<16xi32>
    tpu.vector_store %arg10[%swap3A_58], %swap3A_61 {strides = array<i32>} : memref<80xi32, #tpu.memory_space<vmem>>, vector<16xi32>,
    %get3A_62 = arith.constant 16 : index
    %get3A_63 = tpu.vector_load %arg10[%get3A_62] {strides = array<i32>} : memref<80xi32, #tpu.memory_space<vmem>>, vector<16xi32>,
    %get3A_64 = vector.shape_cast %get3A_63 : vector<16xi32> to vector<16xi32>
    %add3A_65 = vector.broadcast %mul3A_4 : i32 to vector<16xi32>
    %add3A_66 = arith.addi %get3A_64, %add3A_65 : vector<16xi32>
    %swap3A_67 = arith.constant 16 : index
    %swap3A_68 = tpu.vector_load %arg10[%swap3A_67] {strides = array<i32>} : memref<80xi32, #tpu.memory_space<vmem>>, vector<16xi32>,
    %swap3A_69 = vector.shape_cast %swap3A_68 : vector<16xi32> to vector<16xi32>
    %swap3A_70 = vector.shape_cast %add3A_66 : vector<16xi32> to vector<16xi32>
    tpu.vector_store %arg10[%swap3A_67], %swap3A_70 {strides = array<i32>} : memref<80xi32, #tpu.memory_space<vmem>>, vector<16xi32>,
    %get3A_71 = arith.constant 32 : index
    %get3A_72 = tpu.vector_load %arg10[%get3A_71] {strides = array<i32>} : memref<80xi32, #tpu.memory_space<vmem>>, vector<16xi32>,
    %get3A_73 = vector.shape_cast %get3A_72 : vector<16xi32> to vector<16xi32>
    %add3A_74 = vector.broadcast %mul3A_4 : i32 to vector<16xi32>
    %add3A_75 = arith.addi %get3A_73, %add3A_74 : vector<16xi32>
    %swap3A_76 = arith.constant 32 : index
    %swap3A_77 = tpu.vector_load %arg10[%swap3A_76] {strides = array<i32>} : memref<80xi32, #tpu.memory_space<vmem>>, vector<16xi32>,
    %swap3A_78 = vector.shape_cast %swap3A_77 : vector<16xi32> to vector<16xi32>
    %swap3A_79 = vector.shape_cast %add3A_75 : vector<16xi32> to vector<16xi32>
    tpu.vector_store %arg10[%swap3A_76], %swap3A_79 {strides = array<i32>} : memref<80xi32, #tpu.memory_space<vmem>>, vector<16xi32>,
    %get3A_80 = arith.constant 48 : index
    %get3A_81 = tpu.vector_load %arg10[%get3A_80] {strides = array<i32>} : memref<80xi32, #tpu.memory_space<vmem>>, vector<16xi32>,
    %get3A_82 = vector.shape_cast %get3A_81 : vector<16xi32> to vector<16xi32>
    %add3A_83 = vector.broadcast %mul3A_4 : i32 to vector<16xi32>
    %add3A_84 = arith.addi %get3A_82, %add3A_83 : vector<16xi32>
    %swap3A_85 = arith.constant 48 : index
    %swap3A_86 = tpu.vector_load %arg10[%swap3A_85] {strides = array<i32>} : memref<80xi32, #tpu.memory_space<vmem>>, vector<16xi32>,
    %swap3A_87 = vector.shape_cast %swap3A_86 : vector<16xi32> to vector<16xi32>
    %swap3A_88 = vector.shape_cast %add3A_84 : vector<16xi32> to vector<16xi32>
    tpu.vector_store %arg10[%swap3A_85], %swap3A_88 {strides = array<i32>} : memref<80xi32, #tpu.memory_space<vmem>>, vector<16xi32>,
    %get3A_89 = arith.constant 64 : index
    %get3A_90 = tpu.vector_load %arg10[%get3A_89] {strides = array<i32>} : memref<80xi32, #tpu.memory_space<vmem>>, vector<16xi32>,
    %get3A_91 = vector.shape_cast %get3A_90 : vector<16xi32> to vector<16xi32>
    %add3A_92 = vector.broadcast %mul3A_4 : i32 to vector<16xi32>
    %add3A_93 = arith.addi %get3A_91, %add3A_92 : vector<16xi32>
    %swap3A_94 = arith.constant 64 : index
    %swap3A_95 = tpu.vector_load %arg10[%swap3A_94] {strides = array<i32>} : memref<80xi32, #tpu.memory_space<vmem>>, vector<16xi32>,
    %swap3A_96 = vector.shape_cast %swap3A_95 : vector<16xi32> to vector<16xi32>
    %swap3A_97 = vector.shape_cast %add3A_93 : vector<16xi32> to vector<16xi32>
    tpu.vector_store %arg10[%swap3A_94], %swap3A_97 {strides = array<i32>} : memref<80xi32, #tpu.memory_space<vmem>>, vector<16xi32>,
    %dma_start3A_98 = arith.constant 0 : i32
    %dma_start3A_99 = arith.constant 0 : i32
    %dma_start3A_100 = tpu.memref_slice %arg2[%dma_start3A_98, %dma_start3A_99] : memref<20000x128xf32, #tpu.memory_space<hbm>> -> memref<20000x128xf32, #tpu.memory_space<hbm>>
    tpu.enqueue_indirect_dma source(%dma_start3A_100 : memref<20000x128xf32, #tpu.memory_space<hbm>>) target(%arg12 : memref<80x128xf32, #tpu.memory_space<vmem>>) offsets(%arg10 : memref<80xi32, #tpu.memory_space<vmem>>) semaphore(%arg18 : memref<!tpu.dma_semaphore, #tpu.memory_space<semaphore_mem>>)
    %scan3A = arith.constant 0 : i32
    %scan3A_101 = arith.constant 0 : i32
    %scan3A_102 = arith.constant 41 : i32
    %scan3A_103 = arith.addi %scan3A_101, %scan3A_102 : i32
    %scan3A_104 = arith.constant 1 : i32
    scf.for %scan3A_115 = %scan3A_101 to %scan3A_103 step %scan3A_104  : i32 {
      %mul3A_116 = arith.constant 3 : i32
      %mul3A_117 = arith.muli %mul3A_116, %scan3A_115 : i32
      %add3A_118 = arith.constant 2 : i32
      %add3A_119 = arith.addi %mul3A_117, %add3A_118 : i32
      %mul3A_120 = arith.constant 80 : i32
      %mul3A_121 = arith.muli %add3A_119, %mul3A_120 : i32
      %add3A_122 = arith.addi %mul3A_2, %mul3A_121 : i32
      "tpu.region"() ({
        %run_scoped3A = tpu.sem_alloc : memref<!tpu.dma_semaphore, #tpu.memory_space<semaphore_mem>>
        %dma_start3A_290 = tpu.memref_slice %arg3[%add3A_122] : memref<160000xi32, #tpu.memory_space<hbm>> -> memref<80xi32, #tpu.memory_space<hbm>>
        %dma_start3A_291 = tpu.memref_slice %arg3[%add3A_122] : memref<160000xi32, #tpu.memory_space<hbm>> -> memref<80xi32, #tpu.memory_space<hbm>>
        tpu.enqueue_dma source(%dma_start3A_291 : memref<80xi32, #tpu.memory_space<hbm>>) target(%arg13 : memref<80xi32, #tpu.memory_space<vmem>>) target_semaphore(%run_scoped3A : memref<!tpu.dma_semaphore, #tpu.memory_space<semaphore_mem>>)
        %dma_wait3A_292 = tpu.memref_slice %arg3[%add3A_122] : memref<160000xi32, #tpu.memory_space<hbm>> -> memref<80xi32, #tpu.memory_space<hbm>>
        %dma_wait3A_293 = tpu.memref_slice %arg3[%add3A_122] : memref<160000xi32, #tpu.memory_space<hbm>> -> memref<80xi32, #tpu.memory_space<hbm>>
        tpu.wait_dma2 semaphore(%run_scoped3A : memref<!tpu.dma_semaphore, #tpu.memory_space<semaphore_mem>>) src(%dma_wait3A_293 : memref<80xi32, #tpu.memory_space<hbm>>) dst(%arg13 : memref<80xi32, #tpu.memory_space<vmem>>)
        tpu.yield
      }) : () -> ()
      "tpu.region"() ({
        %run_scoped3A = tpu.sem_alloc : memref<!tpu.dma_semaphore, #tpu.memory_space<semaphore_mem>>
        %dma_start3A_290 = tpu.memref_slice %arg4[%add3A_122] : memref<160000xi32, #tpu.memory_space<hbm>> -> memref<80xi32, #tpu.memory_space<hbm>>
        %dma_start3A_291 = tpu.memref_slice %arg4[%add3A_122] : memref<160000xi32, #tpu.memory_space<hbm>> -> memref<80xi32, #tpu.memory_space<hbm>>
        tpu.enqueue_dma source(%dma_start3A_291 : memref<80xi32, #tpu.memory_space<hbm>>) target(%arg14 : memref<80xi32, #tpu.memory_space<vmem>>) target_semaphore(%run_scoped3A : memref<!tpu.dma_semaphore, #tpu.memory_space<semaphore_mem>>)
        %dma_wait3A_292 = tpu.memref_slice %arg4[%add3A_122] : memref<160000xi32, #tpu.memory_space<hbm>> -> memref<80xi32, #tpu.memory_space<hbm>>
        %dma_wait3A_293 = tpu.memref_slice %arg4[%add3A_122] : memref<160000xi32, #tpu.memory_space<hbm>> -> memref<80xi32, #tpu.memory_space<hbm>>
        tpu.wait_dma2 semaphore(%run_scoped3A : memref<!tpu.dma_semaphore, #tpu.memory_space<semaphore_mem>>) src(%dma_wait3A_293 : memref<80xi32, #tpu.memory_space<hbm>>) dst(%arg14 : memref<80xi32, #tpu.memory_space<vmem>>)
        tpu.yield
      }) : () -> ()
      %get3A_123 = arith.constant 0 : index
      %get3A_124 = tpu.vector_load %arg13[%get3A_123] {strides = array<i32>} : memref<80xi32, #tpu.memory_space<vmem>>, vector<16xi32>,
      %get3A_125 = vector.shape_cast %get3A_124 : vector<16xi32> to vector<16xi32>
      %add3A_126 = vector.broadcast %mul3A_4 : i32 to vector<16xi32>
      %add3A_127 = arith.addi %get3A_125, %add3A_126 : vector<16xi32>
      %swap3A_128 = arith.constant 0 : index
      %swap3A_129 = tpu.vector_load %arg13[%swap3A_128] {strides = array<i32>} : memref<80xi32, #tpu.memory_space<vmem>>, vector<16xi32>,
      %swap3A_130 = vector.shape_cast %swap3A_129 : vector<16xi32> to vector<16xi32>
      %swap3A_131 = vector.shape_cast %add3A_127 : vector<16xi32> to vector<16xi32>
      tpu.vector_store %arg13[%swap3A_128], %swap3A_131 {strides = array<i32>} : memref<80xi32, #tpu.memory_space<vmem>>, vector<16xi32>,
      %get3A_132 = arith.constant 16 : index
      %get3A_133 = tpu.vector_load %arg13[%get3A_132] {strides = array<i32>} : memref<80xi32, #tpu.memory_space<vmem>>, vector<16xi32>,
      %get3A_134 = vector.shape_cast %get3A_133 : vector<16xi32> to vector<16xi32>
      %add3A_135 = vector.broadcast %mul3A_4 : i32 to vector<16xi32>
      %add3A_136 = arith.addi %get3A_134, %add3A_135 : vector<16xi32>
      %swap3A_137 = arith.constant 16 : index
      %swap3A_138 = tpu.vector_load %arg13[%swap3A_137] {strides = array<i32>} : memref<80xi32, #tpu.memory_space<vmem>>, vector<16xi32>,
      %swap3A_139 = vector.shape_cast %swap3A_138 : vector<16xi32> to vector<16xi32>
      %swap3A_140 = vector.shape_cast %add3A_136 : vector<16xi32> to vector<16xi32>
      tpu.vector_store %arg13[%swap3A_137], %swap3A_140 {strides = array<i32>} : memref<80xi32, #tpu.memory_space<vmem>>, vector<16xi32>,
      %get3A_141 = arith.constant 32 : index
      %get3A_142 = tpu.vector_load %arg13[%get3A_141] {strides = array<i32>} : memref<80xi32, #tpu.memory_space<vmem>>, vector<16xi32>,
      %get3A_143 = vector.shape_cast %get3A_142 : vector<16xi32> to vector<16xi32>
      %add3A_144 = vector.broadcast %mul3A_4 : i32 to vector<16xi32>
      %add3A_145 = arith.addi %get3A_143, %add3A_144 : vector<16xi32>
      %swap3A_146 = arith.constant 32 : index
      %swap3A_147 = tpu.vector_load %arg13[%swap3A_146] {strides = array<i32>} : memref<80xi32, #tpu.memory_space<vmem>>, vector<16xi32>,
      %swap3A_148 = vector.shape_cast %swap3A_147 : vector<16xi32> to vector<16xi32>
      %swap3A_149 = vector.shape_cast %add3A_145 : vector<16xi32> to vector<16xi32>
      tpu.vector_store %arg13[%swap3A_146], %swap3A_149 {strides = array<i32>} : memref<80xi32, #tpu.memory_space<vmem>>, vector<16xi32>,
      %get3A_150 = arith.constant 48 : index
      %get3A_151 = tpu.vector_load %arg13[%get3A_150] {strides = array<i32>} : memref<80xi32, #tpu.memory_space<vmem>>, vector<16xi32>,
      %get3A_152 = vector.shape_cast %get3A_151 : vector<16xi32> to vector<16xi32>
      %add3A_153 = vector.broadcast %mul3A_4 : i32 to vector<16xi32>
      %add3A_154 = arith.addi %get3A_152, %add3A_153 : vector<16xi32>
      %swap3A_155 = arith.constant 48 : index
      %swap3A_156 = tpu.vector_load %arg13[%swap3A_155] {strides = array<i32>} : memref<80xi32, #tpu.memory_space<vmem>>, vector<16xi32>,
      %swap3A_157 = vector.shape_cast %swap3A_156 : vector<16xi32> to vector<16xi32>
      %swap3A_158 = vector.shape_cast %add3A_154 : vector<16xi32> to vector<16xi32>
      tpu.vector_store %arg13[%swap3A_155], %swap3A_158 {strides = array<i32>} : memref<80xi32, #tpu.memory_space<vmem>>, vector<16xi32>,
      %get3A_159 = arith.constant 64 : index
      %get3A_160 = tpu.vector_load %arg13[%get3A_159] {strides = array<i32>} : memref<80xi32, #tpu.memory_space<vmem>>, vector<16xi32>,
      %get3A_161 = vector.shape_cast %get3A_160 : vector<16xi32> to vector<16xi32>
      %add3A_162 = vector.broadcast %mul3A_4 : i32 to vector<16xi32>
      %add3A_163 = arith.addi %get3A_161, %add3A_162 : vector<16xi32>
      %swap3A_164 = arith.constant 64 : index
      %swap3A_165 = tpu.vector_load %arg13[%swap3A_164] {strides = array<i32>} : memref<80xi32, #tpu.memory_space<vmem>>, vector<16xi32>,
      %swap3A_166 = vector.shape_cast %swap3A_165 : vector<16xi32> to vector<16xi32>
      %swap3A_167 = vector.shape_cast %add3A_163 : vector<16xi32> to vector<16xi32>
      tpu.vector_store %arg13[%swap3A_164], %swap3A_167 {strides = array<i32>} : memref<80xi32, #tpu.memory_space<vmem>>, vector<16xi32>,
      %dma_start3A_168 = arith.constant 0 : i32
      %dma_start3A_169 = arith.constant 0 : i32
      %dma_start3A_170 = tpu.memref_slice %arg2[%dma_start3A_168, %dma_start3A_169] : memref<20000x128xf32, #tpu.memory_space<hbm>> -> memref<20000x128xf32, #tpu.memory_space<hbm>>
      tpu.enqueue_indirect_dma source(%dma_start3A_170 : memref<20000x128xf32, #tpu.memory_space<hbm>>) target(%arg15 : memref<80x128xf32, #tpu.memory_space<vmem>>) offsets(%arg13 : memref<80xi32, #tpu.memory_space<vmem>>) semaphore(%arg19 : memref<!tpu.dma_semaphore, #tpu.memory_space<semaphore_mem>>)
      %dma_wait3A_171 = arith.constant 0 : i32
      %dma_wait3A_172 = arith.constant 0 : i32
      %dma_wait3A_173 = tpu.memref_slice %arg2[%dma_wait3A_171, %dma_wait3A_172] : memref<20000x128xf32, #tpu.memory_space<hbm>> -> memref<20000x128xf32, #tpu.memory_space<hbm>>
      tpu.wait_indirect_dma semaphore(%arg17 : memref<!tpu.dma_semaphore, #tpu.memory_space<semaphore_mem>>) src(%dma_wait3A_173 : memref<20000x128xf32, #tpu.memory_space<hbm>>) dst(%arg9 : memref<80x128xf32, #tpu.memory_space<vmem>>)
      "tpu.region"() ({
        %run_scoped3A = tpu.sem_alloc : memref<!tpu.dma_semaphore, #tpu.memory_space<semaphore_mem>>
        %dma_start3A_290 = arith.constant 0 : i32
        %dma_start3A_291 = arith.constant 0 : i32
        %dma_start3A_292 = tpu.memref_slice %arg16[%dma_start3A_290, %dma_start3A_291] : memref<10240x128xf32, #tpu.memory_space<vmem_shared>> -> memref<10240x128xf32, #tpu.memory_space<vmem_shared>>
        tpu.enqueue_indirect_dma source(%arg9 : memref<80x128xf32, #tpu.memory_space<vmem>>) target(%dma_start3A_292 : memref<10240x128xf32, #tpu.memory_space<vmem_shared>>) offsets(%arg8 : memref<80xi32, #tpu.memory_space<vmem>>) semaphore(%run_scoped3A : memref<!tpu.dma_semaphore, #tpu.memory_space<semaphore_mem>>) {add = true}
        %dma_wait3A_293 = arith.constant 0 : i32
        %dma_wait3A_294 = arith.constant 0 : i32
        %dma_wait3A_295 = tpu.memref_slice %arg16[%dma_wait3A_293, %dma_wait3A_294] : memref<10240x128xf32, #tpu.memory_space<vmem_shared>> -> memref<10240x128xf32, #tpu.memory_space<vmem_shared>>
        tpu.wait_indirect_dma semaphore(%run_scoped3A : memref<!tpu.dma_semaphore, #tpu.memory_space<semaphore_mem>>) src(%arg9 : memref<80x128xf32, #tpu.memory_space<vmem>>) dst(%dma_wait3A_295 : memref<10240x128xf32, #tpu.memory_space<vmem_shared>>)
        tpu.yield
      }) : () -> ()
      %mul3A_174 = arith.constant 3 : i32
      %mul3A_175 = arith.muli %mul3A_174, %scan3A_115 : i32
      %add3A_176 = arith.constant 3 : i32
      %add3A_177 = arith.addi %mul3A_175, %add3A_176 : i32
      %mul3A_178 = arith.constant 80 : i32
      %mul3A_179 = arith.muli %add3A_177, %mul3A_178 : i32
      %add3A_180 = arith.addi %mul3A_2, %mul3A_179 : i32
      "tpu.region"() ({
        %run_scoped3A = tpu.sem_alloc : memref<!tpu.dma_semaphore, #tpu.memory_space<semaphore_mem>>
        %dma_start3A_290 = tpu.memref_slice %arg3[%add3A_180] : memref<160000xi32, #tpu.memory_space<hbm>> -> memref<80xi32, #tpu.memory_space<hbm>>
        %dma_start3A_291 = tpu.memref_slice %arg3[%add3A_180] : memref<160000xi32, #tpu.memory_space<hbm>> -> memref<80xi32, #tpu.memory_space<hbm>>
        tpu.enqueue_dma source(%dma_start3A_291 : memref<80xi32, #tpu.memory_space<hbm>>) target(%arg7 : memref<80xi32, #tpu.memory_space<vmem>>) target_semaphore(%run_scoped3A : memref<!tpu.dma_semaphore, #tpu.memory_space<semaphore_mem>>)
        %dma_wait3A_292 = tpu.memref_slice %arg3[%add3A_180] : memref<160000xi32, #tpu.memory_space<hbm>> -> memref<80xi32, #tpu.memory_space<hbm>>
        %dma_wait3A_293 = tpu.memref_slice %arg3[%add3A_180] : memref<160000xi32, #tpu.memory_space<hbm>> -> memref<80xi32, #tpu.memory_space<hbm>>
        tpu.wait_dma2 semaphore(%run_scoped3A : memref<!tpu.dma_semaphore, #tpu.memory_space<semaphore_mem>>) src(%dma_wait3A_293 : memref<80xi32, #tpu.memory_space<hbm>>) dst(%arg7 : memref<80xi32, #tpu.memory_space<vmem>>)
        tpu.yield
      }) : () -> ()
      "tpu.region"() ({
        %run_scoped3A = tpu.sem_alloc : memref<!tpu.dma_semaphore, #tpu.memory_space<semaphore_mem>>
        %dma_start3A_290 = tpu.memref_slice %arg4[%add3A_180] : memref<160000xi32, #tpu.memory_space<hbm>> -> memref<80xi32, #tpu.memory_space<hbm>>
        %dma_start3A_291 = tpu.memref_slice %arg4[%add3A_180] : memref<160000xi32, #tpu.memory_space<hbm>> -> memref<80xi32, #tpu.memory_space<hbm>>
        tpu.enqueue_dma source(%dma_start3A_291 : memref<80xi32, #tpu.memory_space<hbm>>) target(%arg8 : memref<80xi32, #tpu.memory_space<vmem>>) target_semaphore(%run_scoped3A : memref<!tpu.dma_semaphore, #tpu.memory_space<semaphore_mem>>)
        %dma_wait3A_292 = tpu.memref_slice %arg4[%add3A_180] : memref<160000xi32, #tpu.memory_space<hbm>> -> memref<80xi32, #tpu.memory_space<hbm>>
        %dma_wait3A_293 = tpu.memref_slice %arg4[%add3A_180] : memref<160000xi32, #tpu.memory_space<hbm>> -> memref<80xi32, #tpu.memory_space<hbm>>
        tpu.wait_dma2 semaphore(%run_scoped3A : memref<!tpu.dma_semaphore, #tpu.memory_space<semaphore_mem>>) src(%dma_wait3A_293 : memref<80xi32, #tpu.memory_space<hbm>>) dst(%arg8 : memref<80xi32, #tpu.memory_space<vmem>>)
        tpu.yield
      }) : () -> ()
      %get3A_181 = arith.constant 0 : index
      %get3A_182 = tpu.vector_load %arg7[%get3A_181] {strides = array<i32>} : memref<80xi32, #tpu.memory_space<vmem>>, vector<16xi32>,
      %get3A_183 = vector.shape_cast %get3A_182 : vector<16xi32> to vector<16xi32>
      %add3A_184 = vector.broadcast %mul3A_4 : i32 to vector<16xi32>
      %add3A_185 = arith.addi %get3A_183, %add3A_184 : vector<16xi32>
      %swap3A_186 = arith.constant 0 : index
      %swap3A_187 = tpu.vector_load %arg7[%swap3A_186] {strides = array<i32>} : memref<80xi32, #tpu.memory_space<vmem>>, vector<16xi32>,
      %swap3A_188 = vector.shape_cast %swap3A_187 : vector<16xi32> to vector<16xi32>
      %swap3A_189 = vector.shape_cast %add3A_185 : vector<16xi32> to vector<16xi32>
      tpu.vector_store %arg7[%swap3A_186], %swap3A_189 {strides = array<i32>} : memref<80xi32, #tpu.memory_space<vmem>>, vector<16xi32>,
      %get3A_190 = arith.constant 16 : index
      %get3A_191 = tpu.vector_load %arg7[%get3A_190] {strides = array<i32>} : memref<80xi32, #tpu.memory_space<vmem>>, vector<16xi32>,
      %get3A_192 = vector.shape_cast %get3A_191 : vector<16xi32> to vector<16xi32>
      %add3A_193 = vector.broadcast %mul3A_4 : i32 to vector<16xi32>
      %add3A_194 = arith.addi %get3A_192, %add3A_193 : vector<16xi32>
      %swap3A_195 = arith.constant 16 : index
      %swap3A_196 = tpu.vector_load %arg7[%swap3A_195] {strides = array<i32>} : memref<80xi32, #tpu.memory_space<vmem>>, vector<16xi32>,
      %swap3A_197 = vector.shape_cast %swap3A_196 : vector<16xi32> to vector<16xi32>
      %swap3A_198 = vector.shape_cast %add3A_194 : vector<16xi32> to vector<16xi32>
      tpu.vector_store %arg7[%swap3A_195], %swap3A_198 {strides = array<i32>} : memref<80xi32, #tpu.memory_space<vmem>>, vector<16xi32>,
      %get3A_199 = arith.constant 32 : index
      %get3A_200 = tpu.vector_load %arg7[%get3A_199] {strides = array<i32>} : memref<80xi32, #tpu.memory_space<vmem>>, vector<16xi32>,
      %get3A_201 = vector.shape_cast %get3A_200 : vector<16xi32> to vector<16xi32>
      %add3A_202 = vector.broadcast %mul3A_4 : i32 to vector<16xi32>
      %add3A_203 = arith.addi %get3A_201, %add3A_202 : vector<16xi32>
      %swap3A_204 = arith.constant 32 : index
      %swap3A_205 = tpu.vector_load %arg7[%swap3A_204] {strides = array<i32>} : memref<80xi32, #tpu.memory_space<vmem>>, vector<16xi32>,
      %swap3A_206 = vector.shape_cast %swap3A_205 : vector<16xi32> to vector<16xi32>
      %swap3A_207 = vector.shape_cast %add3A_203 : vector<16xi32> to vector<16xi32>
      tpu.vector_store %arg7[%swap3A_204], %swap3A_207 {strides = array<i32>} : memref<80xi32, #tpu.memory_space<vmem>>, vector<16xi32>,
      %get3A_208 = arith.constant 48 : index
      %get3A_209 = tpu.vector_load %arg7[%get3A_208] {strides = array<i32>} : memref<80xi32, #tpu.memory_space<vmem>>, vector<16xi32>,
      %get3A_210 = vector.shape_cast %get3A_209 : vector<16xi32> to vector<16xi32>
      %add3A_211 = vector.broadcast %mul3A_4 : i32 to vector<16xi32>
      %add3A_212 = arith.addi %get3A_210, %add3A_211 : vector<16xi32>
      %swap3A_213 = arith.constant 48 : index
      %swap3A_214 = tpu.vector_load %arg7[%swap3A_213] {strides = array<i32>} : memref<80xi32, #tpu.memory_space<vmem>>, vector<16xi32>,
      %swap3A_215 = vector.shape_cast %swap3A_214 : vector<16xi32> to vector<16xi32>
      %swap3A_216 = vector.shape_cast %add3A_212 : vector<16xi32> to vector<16xi32>
      tpu.vector_store %arg7[%swap3A_213], %swap3A_216 {strides = array<i32>} : memref<80xi32, #tpu.memory_space<vmem>>, vector<16xi32>,
      %get3A_217 = arith.constant 64 : index
      %get3A_218 = tpu.vector_load %arg7[%get3A_217] {strides = array<i32>} : memref<80xi32, #tpu.memory_space<vmem>>, vector<16xi32>,
      %get3A_219 = vector.shape_cast %get3A_218 : vector<16xi32> to vector<16xi32>
      %add3A_220 = vector.broadcast %mul3A_4 : i32 to vector<16xi32>
      %add3A_221 = arith.addi %get3A_219, %add3A_220 : vector<16xi32>
      %swap3A_222 = arith.constant 64 : index
      %swap3A_223 = tpu.vector_load %arg7[%swap3A_222] {strides = array<i32>} : memref<80xi32, #tpu.memory_space<vmem>>, vector<16xi32>,
      %swap3A_224 = vector.shape_cast %swap3A_223 : vector<16xi32> to vector<16xi32>
      %swap3A_225 = vector.shape_cast %add3A_221 : vector<16xi32> to vector<16xi32>
      tpu.vector_store %arg7[%swap3A_222], %swap3A_225 {strides = array<i32>} : memref<80xi32, #tpu.memory_space<vmem>>, vector<16xi32>,
      %dma_start3A_226 = arith.constant 0 : i32
      %dma_start3A_227 = arith.constant 0 : i32
      %dma_start3A_228 = tpu.memref_slice %arg2[%dma_start3A_226, %dma_start3A_227] : memref<20000x128xf32, #tpu.memory_space<hbm>> -> memref<20000x128xf32, #tpu.memory_space<hbm>>
      tpu.enqueue_indirect_dma source(%dma_start3A_228 : memref<20000x128xf32, #tpu.memory_space<hbm>>) target(%arg9 : memref<80x128xf32, #tpu.memory_space<vmem>>) offsets(%arg7 : memref<80xi32, #tpu.memory_space<vmem>>) semaphore(%arg17 : memref<!tpu.dma_semaphore, #tpu.memory_space<semaphore_mem>>)
      %dma_wait3A_229 = arith.constant 0 : i32
      %dma_wait3A_230 = arith.constant 0 : i32
      %dma_wait3A_231 = tpu.memref_slice %arg2[%dma_wait3A_229, %dma_wait3A_230] : memref<20000x128xf32, #tpu.memory_space<hbm>> -> memref<20000x128xf32, #tpu.memory_space<hbm>>
      tpu.wait_indirect_dma semaphore(%arg18 : memref<!tpu.dma_semaphore, #tpu.memory_space<semaphore_mem>>) src(%dma_wait3A_231 : memref<20000x128xf32, #tpu.memory_space<hbm>>) dst(%arg12 : memref<80x128xf32, #tpu.memory_space<vmem>>)
      "tpu.region"() ({
        %run_scoped3A = tpu.sem_alloc : memref<!tpu.dma_semaphore, #tpu.memory_space<semaphore_mem>>
        %dma_start3A_290 = arith.constant 0 : i32
        %dma_start3A_291 = arith.constant 0 : i32
        %dma_start3A_292 = tpu.memref_slice %arg16[%dma_start3A_290, %dma_start3A_291] : memref<10240x128xf32, #tpu.memory_space<vmem_shared>> -> memref<10240x128xf32, #tpu.memory_space<vmem_shared>>
        tpu.enqueue_indirect_dma source(%arg12 : memref<80x128xf32, #tpu.memory_space<vmem>>) target(%dma_start3A_292 : memref<10240x128xf32, #tpu.memory_space<vmem_shared>>) offsets(%arg11 : memref<80xi32, #tpu.memory_space<vmem>>) semaphore(%run_scoped3A : memref<!tpu.dma_semaphore, #tpu.memory_space<semaphore_mem>>) {add = true}
        %dma_wait3A_293 = arith.constant 0 : i32
        %dma_wait3A_294 = arith.constant 0 : i32
        %dma_wait3A_295 = tpu.memref_slice %arg16[%dma_wait3A_293, %dma_wait3A_294] : memref<10240x128xf32, #tpu.memory_space<vmem_shared>> -> memref<10240x128xf32, #tpu.memory_space<vmem_shared>>
        tpu.wait_indirect_dma semaphore(%run_scoped3A : memref<!tpu.dma_semaphore, #tpu.memory_space<semaphore_mem>>) src(%arg12 : memref<80x128xf32, #tpu.memory_space<vmem>>) dst(%dma_wait3A_295 : memref<10240x128xf32, #tpu.memory_space<vmem_shared>>)
        tpu.yield
      }) : () -> ()
      %mul3A_232 = arith.constant 3 : i32
      %mul3A_233 = arith.muli %mul3A_232, %scan3A_115 : i32
      %add3A_234 = arith.constant 4 : i32
      %add3A_235 = arith.addi %mul3A_233, %add3A_234 : i32
      %mul3A_236 = arith.constant 80 : i32
      %mul3A_237 = arith.muli %add3A_235, %mul3A_236 : i32
      %add3A_238 = arith.addi %mul3A_2, %mul3A_237 : i32
      "tpu.region"() ({
        %run_scoped3A = tpu.sem_alloc : memref<!tpu.dma_semaphore, #tpu.memory_space<semaphore_mem>>
        %dma_start3A_290 = tpu.memref_slice %arg3[%add3A_238] : memref<160000xi32, #tpu.memory_space<hbm>> -> memref<80xi32, #tpu.memory_space<hbm>>
        %dma_start3A_291 = tpu.memref_slice %arg3[%add3A_238] : memref<160000xi32, #tpu.memory_space<hbm>> -> memref<80xi32, #tpu.memory_space<hbm>>
        tpu.enqueue_dma source(%dma_start3A_291 : memref<80xi32, #tpu.memory_space<hbm>>) target(%arg10 : memref<80xi32, #tpu.memory_space<vmem>>) target_semaphore(%run_scoped3A : memref<!tpu.dma_semaphore, #tpu.memory_space<semaphore_mem>>)
        %dma_wait3A_292 = tpu.memref_slice %arg3[%add3A_238] : memref<160000xi32, #tpu.memory_space<hbm>> -> memref<80xi32, #tpu.memory_space<hbm>>
        %dma_wait3A_293 = tpu.memref_slice %arg3[%add3A_238] : memref<160000xi32, #tpu.memory_space<hbm>> -> memref<80xi32, #tpu.memory_space<hbm>>
        tpu.wait_dma2 semaphore(%run_scoped3A : memref<!tpu.dma_semaphore, #tpu.memory_space<semaphore_mem>>) src(%dma_wait3A_293 : memref<80xi32, #tpu.memory_space<hbm>>) dst(%arg10 : memref<80xi32, #tpu.memory_space<vmem>>)
        tpu.yield
      }) : () -> ()
      "tpu.region"() ({
        %run_scoped3A = tpu.sem_alloc : memref<!tpu.dma_semaphore, #tpu.memory_space<semaphore_mem>>
        %dma_start3A_290 = tpu.memref_slice %arg4[%add3A_238] : memref<160000xi32, #tpu.memory_space<hbm>> -> memref<80xi32, #tpu.memory_space<hbm>>
        %dma_start3A_291 = tpu.memref_slice %arg4[%add3A_238] : memref<160000xi32, #tpu.memory_space<hbm>> -> memref<80xi32, #tpu.memory_space<hbm>>
        tpu.enqueue_dma source(%dma_start3A_291 : memref<80xi32, #tpu.memory_space<hbm>>) target(%arg11 : memref<80xi32, #tpu.memory_space<vmem>>) target_semaphore(%run_scoped3A : memref<!tpu.dma_semaphore, #tpu.memory_space<semaphore_mem>>)
        %dma_wait3A_292 = tpu.memref_slice %arg4[%add3A_238] : memref<160000xi32, #tpu.memory_space<hbm>> -> memref<80xi32, #tpu.memory_space<hbm>>
        %dma_wait3A_293 = tpu.memref_slice %arg4[%add3A_238] : memref<160000xi32, #tpu.memory_space<hbm>> -> memref<80xi32, #tpu.memory_space<hbm>>
        tpu.wait_dma2 semaphore(%run_scoped3A : memref<!tpu.dma_semaphore, #tpu.memory_space<semaphore_mem>>) src(%dma_wait3A_293 : memref<80xi32, #tpu.memory_space<hbm>>) dst(%arg11 : memref<80xi32, #tpu.memory_space<vmem>>)
        tpu.yield
      }) : () -> ()
      %get3A_239 = arith.constant 0 : index
      %get3A_240 = tpu.vector_load %arg10[%get3A_239] {strides = array<i32>} : memref<80xi32, #tpu.memory_space<vmem>>, vector<16xi32>,
      %get3A_241 = vector.shape_cast %get3A_240 : vector<16xi32> to vector<16xi32>
      %add3A_242 = vector.broadcast %mul3A_4 : i32 to vector<16xi32>
      %add3A_243 = arith.addi %get3A_241, %add3A_242 : vector<16xi32>
      %swap3A_244 = arith.constant 0 : index
      %swap3A_245 = tpu.vector_load %arg10[%swap3A_244] {strides = array<i32>} : memref<80xi32, #tpu.memory_space<vmem>>, vector<16xi32>,
      %swap3A_246 = vector.shape_cast %swap3A_245 : vector<16xi32> to vector<16xi32>
      %swap3A_247 = vector.shape_cast %add3A_243 : vector<16xi32> to vector<16xi32>
      tpu.vector_store %arg10[%swap3A_244], %swap3A_247 {strides = array<i32>} : memref<80xi32, #tpu.memory_space<vmem>>, vector<16xi32>,
      %get3A_248 = arith.constant 16 : index
      %get3A_249 = tpu.vector_load %arg10[%get3A_248] {strides = array<i32>} : memref<80xi32, #tpu.memory_space<vmem>>, vector<16xi32>,
      %get3A_250 = vector.shape_cast %get3A_249 : vector<16xi32> to vector<16xi32>
      %add3A_251 = vector.broadcast %mul3A_4 : i32 to vector<16xi32>
      %add3A_252 = arith.addi %get3A_250, %add3A_251 : vector<16xi32>
      %swap3A_253 = arith.constant 16 : index
      %swap3A_254 = tpu.vector_load %arg10[%swap3A_253] {strides = array<i32>} : memref<80xi32, #tpu.memory_space<vmem>>, vector<16xi32>,
      %swap3A_255 = vector.shape_cast %swap3A_254 : vector<16xi32> to vector<16xi32>
      %swap3A_256 = vector.shape_cast %add3A_252 : vector<16xi32> to vector<16xi32>
      tpu.vector_store %arg10[%swap3A_253], %swap3A_256 {strides = array<i32>} : memref<80xi32, #tpu.memory_space<vmem>>, vector<16xi32>,
      %get3A_257 = arith.constant 32 : index
      %get3A_258 = tpu.vector_load %arg10[%get3A_257] {strides = array<i32>} : memref<80xi32, #tpu.memory_space<vmem>>, vector<16xi32>,
      %get3A_259 = vector.shape_cast %get3A_258 : vector<16xi32> to vector<16xi32>
      %add3A_260 = vector.broadcast %mul3A_4 : i32 to vector<16xi32>
      %add3A_261 = arith.addi %get3A_259, %add3A_260 : vector<16xi32>
      %swap3A_262 = arith.constant 32 : index
      %swap3A_263 = tpu.vector_load %arg10[%swap3A_262] {strides = array<i32>} : memref<80xi32, #tpu.memory_space<vmem>>, vector<16xi32>,
      %swap3A_264 = vector.shape_cast %swap3A_263 : vector<16xi32> to vector<16xi32>
      %swap3A_265 = vector.shape_cast %add3A_261 : vector<16xi32> to vector<16xi32>
      tpu.vector_store %arg10[%swap3A_262], %swap3A_265 {strides = array<i32>} : memref<80xi32, #tpu.memory_space<vmem>>, vector<16xi32>,
      %get3A_266 = arith.constant 48 : index
      %get3A_267 = tpu.vector_load %arg10[%get3A_266] {strides = array<i32>} : memref<80xi32, #tpu.memory_space<vmem>>, vector<16xi32>,
      %get3A_268 = vector.shape_cast %get3A_267 : vector<16xi32> to vector<16xi32>
      %add3A_269 = vector.broadcast %mul3A_4 : i32 to vector<16xi32>
      %add3A_270 = arith.addi %get3A_268, %add3A_269 : vector<16xi32>
      %swap3A_271 = arith.constant 48 : index
      %swap3A_272 = tpu.vector_load %arg10[%swap3A_271] {strides = array<i32>} : memref<80xi32, #tpu.memory_space<vmem>>, vector<16xi32>,
      %swap3A_273 = vector.shape_cast %swap3A_272 : vector<16xi32> to vector<16xi32>
      %swap3A_274 = vector.shape_cast %add3A_270 : vector<16xi32> to vector<16xi32>
      tpu.vector_store %arg10[%swap3A_271], %swap3A_274 {strides = array<i32>} : memref<80xi32, #tpu.memory_space<vmem>>, vector<16xi32>,
      %get3A_275 = arith.constant 64 : index
      %get3A_276 = tpu.vector_load %arg10[%get3A_275] {strides = array<i32>} : memref<80xi32, #tpu.memory_space<vmem>>, vector<16xi32>,
      %get3A_277 = vector.shape_cast %get3A_276 : vector<16xi32> to vector<16xi32>
      %add3A_278 = vector.broadcast %mul3A_4 : i32 to vector<16xi32>
      %add3A_279 = arith.addi %get3A_277, %add3A_278 : vector<16xi32>
      %swap3A_280 = arith.constant 64 : index
      %swap3A_281 = tpu.vector_load %arg10[%swap3A_280] {strides = array<i32>} : memref<80xi32, #tpu.memory_space<vmem>>, vector<16xi32>,
      %swap3A_282 = vector.shape_cast %swap3A_281 : vector<16xi32> to vector<16xi32>
      %swap3A_283 = vector.shape_cast %add3A_279 : vector<16xi32> to vector<16xi32>
      tpu.vector_store %arg10[%swap3A_280], %swap3A_283 {strides = array<i32>} : memref<80xi32, #tpu.memory_space<vmem>>, vector<16xi32>,
      %dma_start3A_284 = arith.constant 0 : i32
      %dma_start3A_285 = arith.constant 0 : i32
      %dma_start3A_286 = tpu.memref_slice %arg2[%dma_start3A_284, %dma_start3A_285] : memref<20000x128xf32, #tpu.memory_space<hbm>> -> memref<20000x128xf32, #tpu.memory_space<hbm>>
      tpu.enqueue_indirect_dma source(%dma_start3A_286 : memref<20000x128xf32, #tpu.memory_space<hbm>>) target(%arg12 : memref<80x128xf32, #tpu.memory_space<vmem>>) offsets(%arg10 : memref<80xi32, #tpu.memory_space<vmem>>) semaphore(%arg18 : memref<!tpu.dma_semaphore, #tpu.memory_space<semaphore_mem>>)
      %dma_wait3A_287 = arith.constant 0 : i32
      %dma_wait3A_288 = arith.constant 0 : i32
      %dma_wait3A_289 = tpu.memref_slice %arg2[%dma_wait3A_287, %dma_wait3A_288] : memref<20000x128xf32, #tpu.memory_space<hbm>> -> memref<20000x128xf32, #tpu.memory_space<hbm>>
      tpu.wait_indirect_dma semaphore(%arg19 : memref<!tpu.dma_semaphore, #tpu.memory_space<semaphore_mem>>) src(%dma_wait3A_289 : memref<20000x128xf32, #tpu.memory_space<hbm>>) dst(%arg15 : memref<80x128xf32, #tpu.memory_space<vmem>>)
      "tpu.region"() ({
        %run_scoped3A = tpu.sem_alloc : memref<!tpu.dma_semaphore, #tpu.memory_space<semaphore_mem>>
        %dma_start3A_290 = arith.constant 0 : i32
        %dma_start3A_291 = arith.constant 0 : i32
        %dma_start3A_292 = tpu.memref_slice %arg16[%dma_start3A_290, %dma_start3A_291] : memref<10240x128xf32, #tpu.memory_space<vmem_shared>> -> memref<10240x128xf32, #tpu.memory_space<vmem_shared>>
        tpu.enqueue_indirect_dma source(%arg15 : memref<80x128xf32, #tpu.memory_space<vmem>>) target(%dma_start3A_292 : memref<10240x128xf32, #tpu.memory_space<vmem_shared>>) offsets(%arg14 : memref<80xi32, #tpu.memory_space<vmem>>) semaphore(%run_scoped3A : memref<!tpu.dma_semaphore, #tpu.memory_space<semaphore_mem>>) {add = true}
        %dma_wait3A_293 = arith.constant 0 : i32
        %dma_wait3A_294 = arith.constant 0 : i32
        %dma_wait3A_295 = tpu.memref_slice %arg16[%dma_wait3A_293, %dma_wait3A_294] : memref<10240x128xf32, #tpu.memory_space<vmem_shared>> -> memref<10240x128xf32, #tpu.memory_space<vmem_shared>>
        tpu.wait_indirect_dma semaphore(%run_scoped3A : memref<!tpu.dma_semaphore, #tpu.memory_space<semaphore_mem>>) src(%arg15 : memref<80x128xf32, #tpu.memory_space<vmem>>) dst(%dma_wait3A_295 : memref<10240x128xf32, #tpu.memory_space<vmem_shared>>)
        tpu.yield
      }) : () -> ()
    }
    %scan3A_105 = arith.constant 41 : i32
    %dma_wait3A = arith.constant 0 : i32
    %dma_wait3A_106 = arith.constant 0 : i32
    %dma_wait3A_107 = tpu.memref_slice %arg2[%dma_wait3A, %dma_wait3A_106] : memref<20000x128xf32, #tpu.memory_space<hbm>> -> memref<20000x128xf32, #tpu.memory_space<hbm>>
    tpu.wait_indirect_dma semaphore(%arg17 : memref<!tpu.dma_semaphore, #tpu.memory_space<semaphore_mem>>) src(%dma_wait3A_107 : memref<20000x128xf32, #tpu.memory_space<hbm>>) dst(%arg9 : memref<80x128xf32, #tpu.memory_space<vmem>>)
    "tpu.region"() ({
      %run_scoped3A = tpu.sem_alloc : memref<!tpu.dma_semaphore, #tpu.memory_space<semaphore_mem>>
      %dma_start3A_115 = arith.constant 0 : i32
      %dma_start3A_116 = arith.constant 0 : i32
      %dma_start3A_117 = tpu.memref_slice %arg16[%dma_start3A_115, %dma_start3A_116] : memref<10240x128xf32, #tpu.memory_space<vmem_shared>> -> memref<10240x128xf32, #tpu.memory_space<vmem_shared>>
      tpu.enqueue_indirect_dma source(%arg9 : memref<80x128xf32, #tpu.memory_space<vmem>>) target(%dma_start3A_117 : memref<10240x128xf32, #tpu.memory_space<vmem_shared>>) offsets(%arg8 : memref<80xi32, #tpu.memory_space<vmem>>) semaphore(%run_scoped3A : memref<!tpu.dma_semaphore, #tpu.memory_space<semaphore_mem>>) {add = true}
      %dma_wait3A_118 = arith.constant 0 : i32
      %dma_wait3A_119 = arith.constant 0 : i32
      %dma_wait3A_120 = tpu.memref_slice %arg16[%dma_wait3A_118, %dma_wait3A_119] : memref<10240x128xf32, #tpu.memory_space<vmem_shared>> -> memref<10240x128xf32, #tpu.memory_space<vmem_shared>>
      tpu.wait_indirect_dma semaphore(%run_scoped3A : memref<!tpu.dma_semaphore, #tpu.memory_space<semaphore_mem>>) src(%arg9 : memref<80x128xf32, #tpu.memory_space<vmem>>) dst(%dma_wait3A_120 : memref<10240x128xf32, #tpu.memory_space<vmem_shared>>)
      tpu.yield
    }) : () -> ()
    %dma_wait3A_108 = arith.constant 0 : i32
    %dma_wait3A_109 = arith.constant 0 : i32
    %dma_wait3A_110 = tpu.memref_slice %arg2[%dma_wait3A_108, %dma_wait3A_109] : memref<20000x128xf32, #tpu.memory_space<hbm>> -> memref<20000x128xf32, #tpu.memory_space<hbm>>
    tpu.wait_indirect_dma semaphore(%arg18 : memref<!tpu.dma_semaphore, #tpu.memory_space<semaphore_mem>>) src(%dma_wait3A_110 : memref<20000x128xf32, #tpu.memory_space<hbm>>) dst(%arg12 : memref<80x128xf32, #tpu.memory_space<vmem>>)
    "tpu.region"() ({
      %run_scoped3A = tpu.sem_alloc : memref<!tpu.dma_semaphore, #tpu.memory_space<semaphore_mem>>
      %dma_start3A_115 = arith.constant 0 : i32
      %dma_start3A_116 = arith.constant 0 : i32
      %dma_start3A_117 = tpu.memref_slice %arg16[%dma_start3A_115, %dma_start3A_116] : memref<10240x128xf32, #tpu.memory_space<vmem_shared>> -> memref<10240x128xf32, #tpu.memory_space<vmem_shared>>
      tpu.enqueue_indirect_dma source(%arg12 : memref<80x128xf32, #tpu.memory_space<vmem>>) target(%dma_start3A_117 : memref<10240x128xf32, #tpu.memory_space<vmem_shared>>) offsets(%arg11 : memref<80xi32, #tpu.memory_space<vmem>>) semaphore(%run_scoped3A : memref<!tpu.dma_semaphore, #tpu.memory_space<semaphore_mem>>) {add = true}
      %dma_wait3A_118 = arith.constant 0 : i32
      %dma_wait3A_119 = arith.constant 0 : i32
      %dma_wait3A_120 = tpu.memref_slice %arg16[%dma_wait3A_118, %dma_wait3A_119] : memref<10240x128xf32, #tpu.memory_space<vmem_shared>> -> memref<10240x128xf32, #tpu.memory_space<vmem_shared>>
      tpu.wait_indirect_dma semaphore(%run_scoped3A : memref<!tpu.dma_semaphore, #tpu.memory_space<semaphore_mem>>) src(%arg12 : memref<80x128xf32, #tpu.memory_space<vmem>>) dst(%dma_wait3A_120 : memref<10240x128xf32, #tpu.memory_space<vmem_shared>>)
      tpu.yield
    }) : () -> ()
    %barrier3A_111 = arith.constant 0 : index
    tpu.barrier barrier_id(%barrier3A_111)
    %mul3A_112 = arith.constant 10240 : i32
    %mul3A_113 = arith.muli %arg0, %mul3A_112 : i32
    %add3A_114 = arith.addi %mul3A_113, %mul3A_0 : i32
    "tpu.region"() ({
      %run_scoped3A = tpu.sem_alloc : memref<!tpu.dma_semaphore, #tpu.memory_space<semaphore_mem>>
      %dma_start3A_115 = arith.constant 0 : i32
      %dma_start3A_116 = tpu.memref_slice %arg6[%add3A_114, %dma_start3A_115] : memref<20480x128xf32, #tpu.memory_space<hbm>> -> memref<640x128xf32, #tpu.memory_space<hbm>>
      %dma_start3A_117 = arith.constant 0 : i32
      %dma_start3A_118 = tpu.memref_slice %arg16[%mul3A_0, %dma_start3A_117] : memref<10240x128xf32, #tpu.memory_space<vmem_shared>> -> memref<640x128xf32, #tpu.memory_space<vmem_shared>>
      tpu.enqueue_dma source(%dma_start3A_118 : memref<640x128xf32, #tpu.memory_space<vmem_shared>>) target(%dma_start3A_116 : memref<640x128xf32, #tpu.memory_space<hbm>>) target_semaphore(%run_scoped3A : memref<!tpu.dma_semaphore, #tpu.memory_space<semaphore_mem>>)
      %dma_wait3A_119 = arith.constant 0 : i32
      %dma_wait3A_120 = tpu.memref_slice %arg6[%add3A_114, %dma_wait3A_119] : memref<20480x128xf32, #tpu.memory_space<hbm>> -> memref<640x128xf32, #tpu.memory_space<hbm>>
      %dma_wait3A_121 = arith.constant 0 : i32
      %dma_wait3A_122 = tpu.memref_slice %arg16[%mul3A_0, %dma_wait3A_121] : memref<10240x128xf32, #tpu.memory_space<vmem_shared>> -> memref<640x128xf32, #tpu.memory_space<vmem_shared>>
      tpu.wait_dma2 semaphore(%run_scoped3A : memref<!tpu.dma_semaphore, #tpu.memory_space<semaphore_mem>>) src(%dma_wait3A_122 : memref<640x128xf32, #tpu.memory_space<vmem_shared>>) dst(%dma_wait3A_120 : memref<640x128xf32, #tpu.memory_space<hbm>>)
      tpu.yield
    }) : () -> ()
    return
  }
}

#map = affine_map<(d0, d1) -> (0)>
#map1 = affine_map<(d0, d1) -> (0, 0)>
module attributes {stable_mosaic.version = 14 : i64} {
  func.func @body(%arg0: i32, %arg1: i32, %arg2: memref<161280xi32, #tpu.memory_space<hbm>>, %arg3: memref<10240x128xf32, #tpu.memory_space<hbm>>, %arg4: memref<80x128xf32, #tpu.memory_space<hbm>>, %arg5: memref<20480x128xf32, #tpu.memory_space<hbm>>, %arg6: memref<80xi32, #tpu.memory_space<vmem>>, %arg7: memref<80xi32, #tpu.memory_space<vmem>>, %arg8: memref<80x128xf32, #tpu.memory_space<vmem>>, %arg9: memref<10240x128xf32, #tpu.memory_space<vmem_shared>>, %arg10: memref<!tpu.dma_semaphore, #tpu.memory_space<semaphore_mem>>, %arg11: memref<!tpu.dma_semaphore, #tpu.memory_space<semaphore_mem>>) attributes {dimension_semantics = [#tpu.dimension_semantics<core_parallel>, #tpu.dimension_semantics<subcore_parallel>], iteration_bounds = array<i64: 2, 16>, scalar_prefetch = 0 : i64, scratch_operands = 6 : i64, tpu.core_type = #tpu.core_type<sc_vector_subcore>, window_params = [{transform_indices = #map}, {transform_indices = #map1}, {transform_indices = #map1}, {transform_indices = #map1}]} {
    %mul3A = arith.constant 640 : i32
    %mul3A_0 = arith.muli %arg1, %mul3A : i32
    "tpu.region"() ({
      %run_scoped3A = tpu.sem_alloc : memref<!tpu.dma_semaphore, #tpu.memory_space<semaphore_mem>>
      %dma_start3A_20 = arith.constant 0 : i32
      %dma_start3A_21 = tpu.memref_slice %arg9[%mul3A_0, %dma_start3A_20] : memref<10240x128xf32, #tpu.memory_space<vmem_shared>> -> memref<640x128xf32, #tpu.memory_space<vmem_shared>>
      %dma_start3A_22 = arith.constant 0 : i32
      %dma_start3A_23 = tpu.memref_slice %arg3[%mul3A_0, %dma_start3A_22] : memref<10240x128xf32, #tpu.memory_space<hbm>> -> memref<640x128xf32, #tpu.memory_space<hbm>>
      tpu.enqueue_dma source(%dma_start3A_23 : memref<640x128xf32, #tpu.memory_space<hbm>>) target(%dma_start3A_21 : memref<640x128xf32, #tpu.memory_space<vmem_shared>>) target_semaphore(%run_scoped3A : memref<!tpu.dma_semaphore, #tpu.memory_space<semaphore_mem>>)
      %dma_wait3A_24 = arith.constant 0 : i32
      %dma_wait3A_25 = tpu.memref_slice %arg9[%mul3A_0, %dma_wait3A_24] : memref<10240x128xf32, #tpu.memory_space<vmem_shared>> -> memref<640x128xf32, #tpu.memory_space<vmem_shared>>
      %dma_wait3A_26 = arith.constant 0 : i32
      %dma_wait3A_27 = tpu.memref_slice %arg3[%mul3A_0, %dma_wait3A_26] : memref<10240x128xf32, #tpu.memory_space<hbm>> -> memref<640x128xf32, #tpu.memory_space<hbm>>
      tpu.wait_dma2 semaphore(%run_scoped3A : memref<!tpu.dma_semaphore, #tpu.memory_space<semaphore_mem>>) src(%dma_wait3A_27 : memref<640x128xf32, #tpu.memory_space<hbm>>) dst(%dma_wait3A_25 : memref<640x128xf32, #tpu.memory_space<vmem_shared>>)
      tpu.yield
    }) : () -> ()
    "tpu.region"() ({
      %run_scoped3A = tpu.sem_alloc : memref<!tpu.dma_semaphore, #tpu.memory_space<semaphore_mem>>
      tpu.enqueue_dma source(%arg4 : memref<80x128xf32, #tpu.memory_space<hbm>>) target(%arg8 : memref<80x128xf32, #tpu.memory_space<vmem>>) target_semaphore(%run_scoped3A : memref<!tpu.dma_semaphore, #tpu.memory_space<semaphore_mem>>)
      tpu.wait_dma2 semaphore(%run_scoped3A : memref<!tpu.dma_semaphore, #tpu.memory_space<semaphore_mem>>) src(%arg4 : memref<80x128xf32, #tpu.memory_space<hbm>>) dst(%arg8 : memref<80x128xf32, #tpu.memory_space<vmem>>)
      tpu.yield
    }) : () -> ()
    %barrier3A = arith.constant 0 : index
    tpu.barrier barrier_id(%barrier3A)
    %mul3A_1 = arith.constant 16 : i32
    %mul3A_2 = arith.muli %arg0, %mul3A_1 : i32
    %add3A = arith.addi %mul3A_2, %arg1 : i32
    %mul3A_3 = arith.constant 5040 : i32
    %mul3A_4 = arith.muli %add3A, %mul3A_3 : i32
    %add3A_5 = arith.constant 0 : i32
    %add3A_6 = arith.addi %mul3A_4, %add3A_5 : i32
    "tpu.region"() ({
      %run_scoped3A = tpu.sem_alloc : memref<!tpu.dma_semaphore, #tpu.memory_space<semaphore_mem>>
      %dma_start3A_20 = tpu.memref_slice %arg2[%add3A_6] : memref<161280xi32, #tpu.memory_space<hbm>> -> memref<80xi32, #tpu.memory_space<hbm>>
      %dma_start3A_21 = tpu.memref_slice %arg2[%add3A_6] : memref<161280xi32, #tpu.memory_space<hbm>> -> memref<80xi32, #tpu.memory_space<hbm>>
      tpu.enqueue_dma source(%dma_start3A_21 : memref<80xi32, #tpu.memory_space<hbm>>) target(%arg6 : memref<80xi32, #tpu.memory_space<vmem>>) target_semaphore(%run_scoped3A : memref<!tpu.dma_semaphore, #tpu.memory_space<semaphore_mem>>)
      %dma_wait3A_22 = tpu.memref_slice %arg2[%add3A_6] : memref<161280xi32, #tpu.memory_space<hbm>> -> memref<80xi32, #tpu.memory_space<hbm>>
      %dma_wait3A_23 = tpu.memref_slice %arg2[%add3A_6] : memref<161280xi32, #tpu.memory_space<hbm>> -> memref<80xi32, #tpu.memory_space<hbm>>
      tpu.wait_dma2 semaphore(%run_scoped3A : memref<!tpu.dma_semaphore, #tpu.memory_space<semaphore_mem>>) src(%dma_wait3A_23 : memref<80xi32, #tpu.memory_space<hbm>>) dst(%arg6 : memref<80xi32, #tpu.memory_space<vmem>>)
      tpu.yield
    }) : () -> ()
    %dma_start3A = arith.constant 0 : i32
    %dma_start3A_7 = arith.constant 0 : i32
    %dma_start3A_8 = tpu.memref_slice %arg9[%dma_start3A, %dma_start3A_7] : memref<10240x128xf32, #tpu.memory_space<vmem_shared>> -> memref<10240x128xf32, #tpu.memory_space<vmem_shared>>
    tpu.enqueue_indirect_dma source(%arg8 : memref<80x128xf32, #tpu.memory_space<vmem>>) target(%dma_start3A_8 : memref<10240x128xf32, #tpu.memory_space<vmem_shared>>) offsets(%arg6 : memref<80xi32, #tpu.memory_space<vmem>>) semaphore(%arg10 : memref<!tpu.dma_semaphore, #tpu.memory_space<semaphore_mem>>) {add = true}
    %scan3A = arith.constant 0 : i32
    %scan3A_9 = arith.constant 0 : i32
    %scan3A_10 = arith.constant 31 : i32
    %scan3A_11 = arith.addi %scan3A_9, %scan3A_10 : i32
    %scan3A_12 = arith.constant 1 : i32
    scf.for %scan3A_20 = %scan3A_9 to %scan3A_11 step %scan3A_12  : i32 {
      %mul3A_21 = arith.constant 2 : i32
      %mul3A_22 = arith.muli %mul3A_21, %scan3A_20 : i32
      %add3A_23 = arith.constant 1 : i32
      %add3A_24 = arith.addi %mul3A_22, %add3A_23 : i32
      %mul3A_25 = arith.constant 80 : i32
      %mul3A_26 = arith.muli %add3A_24, %mul3A_25 : i32
      %add3A_27 = arith.addi %mul3A_4, %mul3A_26 : i32
      "tpu.region"() ({
        %run_scoped3A = tpu.sem_alloc : memref<!tpu.dma_semaphore, #tpu.memory_space<semaphore_mem>>
        %dma_start3A_47 = tpu.memref_slice %arg2[%add3A_27] : memref<161280xi32, #tpu.memory_space<hbm>> -> memref<80xi32, #tpu.memory_space<hbm>>
        %dma_start3A_48 = tpu.memref_slice %arg2[%add3A_27] : memref<161280xi32, #tpu.memory_space<hbm>> -> memref<80xi32, #tpu.memory_space<hbm>>
        tpu.enqueue_dma source(%dma_start3A_48 : memref<80xi32, #tpu.memory_space<hbm>>) target(%arg7 : memref<80xi32, #tpu.memory_space<vmem>>) target_semaphore(%run_scoped3A : memref<!tpu.dma_semaphore, #tpu.memory_space<semaphore_mem>>)
        %dma_wait3A_49 = tpu.memref_slice %arg2[%add3A_27] : memref<161280xi32, #tpu.memory_space<hbm>> -> memref<80xi32, #tpu.memory_space<hbm>>
        %dma_wait3A_50 = tpu.memref_slice %arg2[%add3A_27] : memref<161280xi32, #tpu.memory_space<hbm>> -> memref<80xi32, #tpu.memory_space<hbm>>
        tpu.wait_dma2 semaphore(%run_scoped3A : memref<!tpu.dma_semaphore, #tpu.memory_space<semaphore_mem>>) src(%dma_wait3A_50 : memref<80xi32, #tpu.memory_space<hbm>>) dst(%arg7 : memref<80xi32, #tpu.memory_space<vmem>>)
        tpu.yield
      }) : () -> ()
      %dma_start3A_28 = arith.constant 0 : i32
      %dma_start3A_29 = arith.constant 0 : i32
      %dma_start3A_30 = tpu.memref_slice %arg9[%dma_start3A_28, %dma_start3A_29] : memref<10240x128xf32, #tpu.memory_space<vmem_shared>> -> memref<10240x128xf32, #tpu.memory_space<vmem_shared>>
      tpu.enqueue_indirect_dma source(%arg8 : memref<80x128xf32, #tpu.memory_space<vmem>>) target(%dma_start3A_30 : memref<10240x128xf32, #tpu.memory_space<vmem_shared>>) offsets(%arg7 : memref<80xi32, #tpu.memory_space<vmem>>) semaphore(%arg11 : memref<!tpu.dma_semaphore, #tpu.memory_space<semaphore_mem>>) {add = true}
      %dma_wait3A_31 = arith.constant 0 : i32
      %dma_wait3A_32 = arith.constant 0 : i32
      %dma_wait3A_33 = tpu.memref_slice %arg9[%dma_wait3A_31, %dma_wait3A_32] : memref<10240x128xf32, #tpu.memory_space<vmem_shared>> -> memref<10240x128xf32, #tpu.memory_space<vmem_shared>>
      tpu.wait_indirect_dma semaphore(%arg10 : memref<!tpu.dma_semaphore, #tpu.memory_space<semaphore_mem>>) src(%arg8 : memref<80x128xf32, #tpu.memory_space<vmem>>) dst(%dma_wait3A_33 : memref<10240x128xf32, #tpu.memory_space<vmem_shared>>)
      %mul3A_34 = arith.constant 2 : i32
      %mul3A_35 = arith.muli %mul3A_34, %scan3A_20 : i32
      %add3A_36 = arith.constant 2 : i32
      %add3A_37 = arith.addi %mul3A_35, %add3A_36 : i32
      %mul3A_38 = arith.constant 80 : i32
      %mul3A_39 = arith.muli %add3A_37, %mul3A_38 : i32
      %add3A_40 = arith.addi %mul3A_4, %mul3A_39 : i32
      "tpu.region"() ({
        %run_scoped3A = tpu.sem_alloc : memref<!tpu.dma_semaphore, #tpu.memory_space<semaphore_mem>>
        %dma_start3A_47 = tpu.memref_slice %arg2[%add3A_40] : memref<161280xi32, #tpu.memory_space<hbm>> -> memref<80xi32, #tpu.memory_space<hbm>>
        %dma_start3A_48 = tpu.memref_slice %arg2[%add3A_40] : memref<161280xi32, #tpu.memory_space<hbm>> -> memref<80xi32, #tpu.memory_space<hbm>>
        tpu.enqueue_dma source(%dma_start3A_48 : memref<80xi32, #tpu.memory_space<hbm>>) target(%arg6 : memref<80xi32, #tpu.memory_space<vmem>>) target_semaphore(%run_scoped3A : memref<!tpu.dma_semaphore, #tpu.memory_space<semaphore_mem>>)
        %dma_wait3A_49 = tpu.memref_slice %arg2[%add3A_40] : memref<161280xi32, #tpu.memory_space<hbm>> -> memref<80xi32, #tpu.memory_space<hbm>>
        %dma_wait3A_50 = tpu.memref_slice %arg2[%add3A_40] : memref<161280xi32, #tpu.memory_space<hbm>> -> memref<80xi32, #tpu.memory_space<hbm>>
        tpu.wait_dma2 semaphore(%run_scoped3A : memref<!tpu.dma_semaphore, #tpu.memory_space<semaphore_mem>>) src(%dma_wait3A_50 : memref<80xi32, #tpu.memory_space<hbm>>) dst(%arg6 : memref<80xi32, #tpu.memory_space<vmem>>)
        tpu.yield
      }) : () -> ()
      %dma_start3A_41 = arith.constant 0 : i32
      %dma_start3A_42 = arith.constant 0 : i32
      %dma_start3A_43 = tpu.memref_slice %arg9[%dma_start3A_41, %dma_start3A_42] : memref<10240x128xf32, #tpu.memory_space<vmem_shared>> -> memref<10240x128xf32, #tpu.memory_space<vmem_shared>>
      tpu.enqueue_indirect_dma source(%arg8 : memref<80x128xf32, #tpu.memory_space<vmem>>) target(%dma_start3A_43 : memref<10240x128xf32, #tpu.memory_space<vmem_shared>>) offsets(%arg6 : memref<80xi32, #tpu.memory_space<vmem>>) semaphore(%arg10 : memref<!tpu.dma_semaphore, #tpu.memory_space<semaphore_mem>>) {add = true}
      %dma_wait3A_44 = arith.constant 0 : i32
      %dma_wait3A_45 = arith.constant 0 : i32
      %dma_wait3A_46 = tpu.memref_slice %arg9[%dma_wait3A_44, %dma_wait3A_45] : memref<10240x128xf32, #tpu.memory_space<vmem_shared>> -> memref<10240x128xf32, #tpu.memory_space<vmem_shared>>
      tpu.wait_indirect_dma semaphore(%arg11 : memref<!tpu.dma_semaphore, #tpu.memory_space<semaphore_mem>>) src(%arg8 : memref<80x128xf32, #tpu.memory_space<vmem>>) dst(%dma_wait3A_46 : memref<10240x128xf32, #tpu.memory_space<vmem_shared>>)
    }
    %scan3A_13 = arith.constant 31 : i32
    %dma_wait3A = arith.constant 0 : i32
    %dma_wait3A_14 = arith.constant 0 : i32
    %dma_wait3A_15 = tpu.memref_slice %arg9[%dma_wait3A, %dma_wait3A_14] : memref<10240x128xf32, #tpu.memory_space<vmem_shared>> -> memref<10240x128xf32, #tpu.memory_space<vmem_shared>>
    tpu.wait_indirect_dma semaphore(%arg10 : memref<!tpu.dma_semaphore, #tpu.memory_space<semaphore_mem>>) src(%arg8 : memref<80x128xf32, #tpu.memory_space<vmem>>) dst(%dma_wait3A_15 : memref<10240x128xf32, #tpu.memory_space<vmem_shared>>)
    %barrier3A_16 = arith.constant 0 : index
    tpu.barrier barrier_id(%barrier3A_16)
    %mul3A_17 = arith.constant 10240 : i32
    %mul3A_18 = arith.muli %arg0, %mul3A_17 : i32
    %add3A_19 = arith.addi %mul3A_18, %mul3A_0 : i32
    "tpu.region"() ({
      %run_scoped3A = tpu.sem_alloc : memref<!tpu.dma_semaphore, #tpu.memory_space<semaphore_mem>>
      %dma_start3A_20 = arith.constant 0 : i32
      %dma_start3A_21 = tpu.memref_slice %arg5[%add3A_19, %dma_start3A_20] : memref<20480x128xf32, #tpu.memory_space<hbm>> -> memref<640x128xf32, #tpu.memory_space<hbm>>
      %dma_start3A_22 = arith.constant 0 : i32
      %dma_start3A_23 = tpu.memref_slice %arg9[%mul3A_0, %dma_start3A_22] : memref<10240x128xf32, #tpu.memory_space<vmem_shared>> -> memref<640x128xf32, #tpu.memory_space<vmem_shared>>
      tpu.enqueue_dma source(%dma_start3A_23 : memref<640x128xf32, #tpu.memory_space<vmem_shared>>) target(%dma_start3A_21 : memref<640x128xf32, #tpu.memory_space<hbm>>) target_semaphore(%run_scoped3A : memref<!tpu.dma_semaphore, #tpu.memory_space<semaphore_mem>>)
      %dma_wait3A_24 = arith.constant 0 : i32
      %dma_wait3A_25 = tpu.memref_slice %arg5[%add3A_19, %dma_wait3A_24] : memref<20480x128xf32, #tpu.memory_space<hbm>> -> memref<640x128xf32, #tpu.memory_space<hbm>>
      %dma_wait3A_26 = arith.constant 0 : i32
      %dma_wait3A_27 = tpu.memref_slice %arg9[%mul3A_0, %dma_wait3A_26] : memref<10240x128xf32, #tpu.memory_space<vmem_shared>> -> memref<640x128xf32, #tpu.memory_space<vmem_shared>>
      tpu.wait_dma2 semaphore(%run_scoped3A : memref<!tpu.dma_semaphore, #tpu.memory_space<semaphore_mem>>) src(%dma_wait3A_27 : memref<640x128xf32, #tpu.memory_space<vmem_shared>>) dst(%dma_wait3A_25 : memref<640x128xf32, #tpu.memory_space<hbm>>)
      tpu.yield
    }) : () -> ()
    return
  }
}

#map = affine_map<(d0, d1) -> (0, 0)>
#map1 = affine_map<(d0, d1) -> (0)>
module attributes {stable_mosaic.version = 14 : i64} {
  func.func @body(%arg0: i32, %arg1: i32, %arg2: memref<10000x128xf32, #tpu.memory_space<hbm>>, %arg3: memref<161280xi32, #tpu.memory_space<hbm>>, %arg4: memref<161280xi32, #tpu.memory_space<hbm>>, %arg5: memref<10240x128xf32, #tpu.memory_space<hbm>>, %arg6: memref<20480x128xf32, #tpu.memory_space<hbm>>, %arg7: memref<80xi32, #tpu.memory_space<vmem>>, %arg8: memref<80xi32, #tpu.memory_space<vmem>>, %arg9: memref<80x128xf32, #tpu.memory_space<vmem>>, %arg10: memref<80xi32, #tpu.memory_space<vmem>>, %arg11: memref<80xi32, #tpu.memory_space<vmem>>, %arg12: memref<80x128xf32, #tpu.memory_space<vmem>>, %arg13: memref<10240x128xf32, #tpu.memory_space<vmem_shared>>, %arg14: memref<!tpu.dma_semaphore, #tpu.memory_space<semaphore_mem>>, %arg15: memref<!tpu.dma_semaphore, #tpu.memory_space<semaphore_mem>>) attributes {dimension_semantics = [#tpu.dimension_semantics<core_parallel>, #tpu.dimension_semantics<subcore_parallel>], iteration_bounds = array<i64: 2, 16>, scalar_prefetch = 0 : i64, scratch_operands = 9 : i64, tpu.core_type = #tpu.core_type<sc_vector_subcore>, window_params = [{transform_indices = #map}, {transform_indices = #map1}, {transform_indices = #map1}, {transform_indices = #map}, {transform_indices = #map}]} {
    %mul3A = arith.constant 640 : i32
    %mul3A_0 = arith.muli %arg1, %mul3A : i32
    "tpu.region"() ({
      %run_scoped3A = tpu.sem_alloc : memref<!tpu.dma_semaphore, #tpu.memory_space<semaphore_mem>>
      %dma_start3A_20 = arith.constant 0 : i32
      %dma_start3A_21 = tpu.memref_slice %arg13[%mul3A_0, %dma_start3A_20] : memref<10240x128xf32, #tpu.memory_space<vmem_shared>> -> memref<640x128xf32, #tpu.memory_space<vmem_shared>>
      %dma_start3A_22 = arith.constant 0 : i32
      %dma_start3A_23 = tpu.memref_slice %arg5[%mul3A_0, %dma_start3A_22] : memref<10240x128xf32, #tpu.memory_space<hbm>> -> memref<640x128xf32, #tpu.memory_space<hbm>>
      tpu.enqueue_dma source(%dma_start3A_23 : memref<640x128xf32, #tpu.memory_space<hbm>>) target(%dma_start3A_21 : memref<640x128xf32, #tpu.memory_space<vmem_shared>>) target_semaphore(%run_scoped3A : memref<!tpu.dma_semaphore, #tpu.memory_space<semaphore_mem>>)
      %dma_wait3A_24 = arith.constant 0 : i32
      %dma_wait3A_25 = tpu.memref_slice %arg13[%mul3A_0, %dma_wait3A_24] : memref<10240x128xf32, #tpu.memory_space<vmem_shared>> -> memref<640x128xf32, #tpu.memory_space<vmem_shared>>
      %dma_wait3A_26 = arith.constant 0 : i32
      %dma_wait3A_27 = tpu.memref_slice %arg5[%mul3A_0, %dma_wait3A_26] : memref<10240x128xf32, #tpu.memory_space<hbm>> -> memref<640x128xf32, #tpu.memory_space<hbm>>
      tpu.wait_dma2 semaphore(%run_scoped3A : memref<!tpu.dma_semaphore, #tpu.memory_space<semaphore_mem>>) src(%dma_wait3A_27 : memref<640x128xf32, #tpu.memory_space<hbm>>) dst(%dma_wait3A_25 : memref<640x128xf32, #tpu.memory_space<vmem_shared>>)
      tpu.yield
    }) : () -> ()
    %barrier3A = arith.constant 0 : index
    tpu.barrier barrier_id(%barrier3A)
    %mul3A_1 = arith.constant 16 : i32
    %mul3A_2 = arith.muli %arg0, %mul3A_1 : i32
    %add3A = arith.addi %mul3A_2, %arg1 : i32
    %mul3A_3 = arith.constant 5040 : i32
    %mul3A_4 = arith.muli %add3A, %mul3A_3 : i32
    %add3A_5 = arith.constant 0 : i32
    %add3A_6 = arith.addi %mul3A_4, %add3A_5 : i32
    "tpu.region"() ({
      %run_scoped3A = tpu.sem_alloc : memref<!tpu.dma_semaphore, #tpu.memory_space<semaphore_mem>>
      %dma_start3A_20 = tpu.memref_slice %arg3[%add3A_6] : memref<161280xi32, #tpu.memory_space<hbm>> -> memref<80xi32, #tpu.memory_space<hbm>>
      %dma_start3A_21 = tpu.memref_slice %arg3[%add3A_6] : memref<161280xi32, #tpu.memory_space<hbm>> -> memref<80xi32, #tpu.memory_space<hbm>>
      tpu.enqueue_dma source(%dma_start3A_21 : memref<80xi32, #tpu.memory_space<hbm>>) target(%arg7 : memref<80xi32, #tpu.memory_space<vmem>>) target_semaphore(%run_scoped3A : memref<!tpu.dma_semaphore, #tpu.memory_space<semaphore_mem>>)
      %dma_wait3A_22 = tpu.memref_slice %arg3[%add3A_6] : memref<161280xi32, #tpu.memory_space<hbm>> -> memref<80xi32, #tpu.memory_space<hbm>>
      %dma_wait3A_23 = tpu.memref_slice %arg3[%add3A_6] : memref<161280xi32, #tpu.memory_space<hbm>> -> memref<80xi32, #tpu.memory_space<hbm>>
      tpu.wait_dma2 semaphore(%run_scoped3A : memref<!tpu.dma_semaphore, #tpu.memory_space<semaphore_mem>>) src(%dma_wait3A_23 : memref<80xi32, #tpu.memory_space<hbm>>) dst(%arg7 : memref<80xi32, #tpu.memory_space<vmem>>)
      tpu.yield
    }) : () -> ()
    "tpu.region"() ({
      %run_scoped3A = tpu.sem_alloc : memref<!tpu.dma_semaphore, #tpu.memory_space<semaphore_mem>>
      %dma_start3A_20 = tpu.memref_slice %arg4[%add3A_6] : memref<161280xi32, #tpu.memory_space<hbm>> -> memref<80xi32, #tpu.memory_space<hbm>>
      %dma_start3A_21 = tpu.memref_slice %arg4[%add3A_6] : memref<161280xi32, #tpu.memory_space<hbm>> -> memref<80xi32, #tpu.memory_space<hbm>>
      tpu.enqueue_dma source(%dma_start3A_21 : memref<80xi32, #tpu.memory_space<hbm>>) target(%arg8 : memref<80xi32, #tpu.memory_space<vmem>>) target_semaphore(%run_scoped3A : memref<!tpu.dma_semaphore, #tpu.memory_space<semaphore_mem>>)
      %dma_wait3A_22 = tpu.memref_slice %arg4[%add3A_6] : memref<161280xi32, #tpu.memory_space<hbm>> -> memref<80xi32, #tpu.memory_space<hbm>>
      %dma_wait3A_23 = tpu.memref_slice %arg4[%add3A_6] : memref<161280xi32, #tpu.memory_space<hbm>> -> memref<80xi32, #tpu.memory_space<hbm>>
      tpu.wait_dma2 semaphore(%run_scoped3A : memref<!tpu.dma_semaphore, #tpu.memory_space<semaphore_mem>>) src(%dma_wait3A_23 : memref<80xi32, #tpu.memory_space<hbm>>) dst(%arg8 : memref<80xi32, #tpu.memory_space<vmem>>)
      tpu.yield
    }) : () -> ()
    %dma_start3A = arith.constant 0 : i32
    %dma_start3A_7 = arith.constant 0 : i32
    %dma_start3A_8 = tpu.memref_slice %arg2[%dma_start3A, %dma_start3A_7] : memref<10000x128xf32, #tpu.memory_space<hbm>> -> memref<10000x128xf32, #tpu.memory_space<hbm>>
    tpu.enqueue_indirect_dma source(%dma_start3A_8 : memref<10000x128xf32, #tpu.memory_space<hbm>>) target(%arg9 : memref<80x128xf32, #tpu.memory_space<vmem>>) offsets(%arg7 : memref<80xi32, #tpu.memory_space<vmem>>) semaphore(%arg14 : memref<!tpu.dma_semaphore, #tpu.memory_space<semaphore_mem>>)
    %scan3A = arith.constant 0 : i32
    %scan3A_9 = arith.constant 0 : i32
    %scan3A_10 = arith.constant 31 : i32
    %scan3A_11 = arith.addi %scan3A_9, %scan3A_10 : i32
    %scan3A_12 = arith.constant 1 : i32
    scf.for %scan3A_20 = %scan3A_9 to %scan3A_11 step %scan3A_12  : i32 {
      %mul3A_21 = arith.constant 2 : i32
      %mul3A_22 = arith.muli %mul3A_21, %scan3A_20 : i32
      %add3A_23 = arith.constant 1 : i32
      %add3A_24 = arith.addi %mul3A_22, %add3A_23 : i32
      %mul3A_25 = arith.constant 80 : i32
      %mul3A_26 = arith.muli %add3A_24, %mul3A_25 : i32
      %add3A_27 = arith.addi %mul3A_4, %mul3A_26 : i32
      "tpu.region"() ({
        %run_scoped3A = tpu.sem_alloc : memref<!tpu.dma_semaphore, #tpu.memory_space<semaphore_mem>>
        %dma_start3A_47 = tpu.memref_slice %arg3[%add3A_27] : memref<161280xi32, #tpu.memory_space<hbm>> -> memref<80xi32, #tpu.memory_space<hbm>>
        %dma_start3A_48 = tpu.memref_slice %arg3[%add3A_27] : memref<161280xi32, #tpu.memory_space<hbm>> -> memref<80xi32, #tpu.memory_space<hbm>>
        tpu.enqueue_dma source(%dma_start3A_48 : memref<80xi32, #tpu.memory_space<hbm>>) target(%arg10 : memref<80xi32, #tpu.memory_space<vmem>>) target_semaphore(%run_scoped3A : memref<!tpu.dma_semaphore, #tpu.memory_space<semaphore_mem>>)
        %dma_wait3A_49 = tpu.memref_slice %arg3[%add3A_27] : memref<161280xi32, #tpu.memory_space<hbm>> -> memref<80xi32, #tpu.memory_space<hbm>>
        %dma_wait3A_50 = tpu.memref_slice %arg3[%add3A_27] : memref<161280xi32, #tpu.memory_space<hbm>> -> memref<80xi32, #tpu.memory_space<hbm>>
        tpu.wait_dma2 semaphore(%run_scoped3A : memref<!tpu.dma_semaphore, #tpu.memory_space<semaphore_mem>>) src(%dma_wait3A_50 : memref<80xi32, #tpu.memory_space<hbm>>) dst(%arg10 : memref<80xi32, #tpu.memory_space<vmem>>)
        tpu.yield
      }) : () -> ()
      "tpu.region"() ({
        %run_scoped3A = tpu.sem_alloc : memref<!tpu.dma_semaphore, #tpu.memory_space<semaphore_mem>>
        %dma_start3A_47 = tpu.memref_slice %arg4[%add3A_27] : memref<161280xi32, #tpu.memory_space<hbm>> -> memref<80xi32, #tpu.memory_space<hbm>>
        %dma_start3A_48 = tpu.memref_slice %arg4[%add3A_27] : memref<161280xi32, #tpu.memory_space<hbm>> -> memref<80xi32, #tpu.memory_space<hbm>>
        tpu.enqueue_dma source(%dma_start3A_48 : memref<80xi32, #tpu.memory_space<hbm>>) target(%arg11 : memref<80xi32, #tpu.memory_space<vmem>>) target_semaphore(%run_scoped3A : memref<!tpu.dma_semaphore, #tpu.memory_space<semaphore_mem>>)
        %dma_wait3A_49 = tpu.memref_slice %arg4[%add3A_27] : memref<161280xi32, #tpu.memory_space<hbm>> -> memref<80xi32, #tpu.memory_space<hbm>>
        %dma_wait3A_50 = tpu.memref_slice %arg4[%add3A_27] : memref<161280xi32, #tpu.memory_space<hbm>> -> memref<80xi32, #tpu.memory_space<hbm>>
        tpu.wait_dma2 semaphore(%run_scoped3A : memref<!tpu.dma_semaphore, #tpu.memory_space<semaphore_mem>>) src(%dma_wait3A_50 : memref<80xi32, #tpu.memory_space<hbm>>) dst(%arg11 : memref<80xi32, #tpu.memory_space<vmem>>)
        tpu.yield
      }) : () -> ()
      %dma_start3A_28 = arith.constant 0 : i32
      %dma_start3A_29 = arith.constant 0 : i32
      %dma_start3A_30 = tpu.memref_slice %arg2[%dma_start3A_28, %dma_start3A_29] : memref<10000x128xf32, #tpu.memory_space<hbm>> -> memref<10000x128xf32, #tpu.memory_space<hbm>>
      tpu.enqueue_indirect_dma source(%dma_start3A_30 : memref<10000x128xf32, #tpu.memory_space<hbm>>) target(%arg12 : memref<80x128xf32, #tpu.memory_space<vmem>>) offsets(%arg10 : memref<80xi32, #tpu.memory_space<vmem>>) semaphore(%arg15 : memref<!tpu.dma_semaphore, #tpu.memory_space<semaphore_mem>>)
      %dma_wait3A_31 = arith.constant 0 : i32
      %dma_wait3A_32 = arith.constant 0 : i32
      %dma_wait3A_33 = tpu.memref_slice %arg2[%dma_wait3A_31, %dma_wait3A_32] : memref<10000x128xf32, #tpu.memory_space<hbm>> -> memref<10000x128xf32, #tpu.memory_space<hbm>>
      tpu.wait_indirect_dma semaphore(%arg14 : memref<!tpu.dma_semaphore, #tpu.memory_space<semaphore_mem>>) src(%dma_wait3A_33 : memref<10000x128xf32, #tpu.memory_space<hbm>>) dst(%arg9 : memref<80x128xf32, #tpu.memory_space<vmem>>)
      "tpu.region"() ({
        %run_scoped3A = tpu.sem_alloc : memref<!tpu.dma_semaphore, #tpu.memory_space<semaphore_mem>>
        %dma_start3A_47 = arith.constant 0 : i32
        %dma_start3A_48 = arith.constant 0 : i32
        %dma_start3A_49 = tpu.memref_slice %arg13[%dma_start3A_47, %dma_start3A_48] : memref<10240x128xf32, #tpu.memory_space<vmem_shared>> -> memref<10240x128xf32, #tpu.memory_space<vmem_shared>>
        tpu.enqueue_indirect_dma source(%arg9 : memref<80x128xf32, #tpu.memory_space<vmem>>) target(%dma_start3A_49 : memref<10240x128xf32, #tpu.memory_space<vmem_shared>>) offsets(%arg8 : memref<80xi32, #tpu.memory_space<vmem>>) semaphore(%run_scoped3A : memref<!tpu.dma_semaphore, #tpu.memory_space<semaphore_mem>>) {add = true}
        %dma_wait3A_50 = arith.constant 0 : i32
        %dma_wait3A_51 = arith.constant 0 : i32
        %dma_wait3A_52 = tpu.memref_slice %arg13[%dma_wait3A_50, %dma_wait3A_51] : memref<10240x128xf32, #tpu.memory_space<vmem_shared>> -> memref<10240x128xf32, #tpu.memory_space<vmem_shared>>
        tpu.wait_indirect_dma semaphore(%run_scoped3A : memref<!tpu.dma_semaphore, #tpu.memory_space<semaphore_mem>>) src(%arg9 : memref<80x128xf32, #tpu.memory_space<vmem>>) dst(%dma_wait3A_52 : memref<10240x128xf32, #tpu.memory_space<vmem_shared>>)
        tpu.yield
      }) : () -> ()
      %mul3A_34 = arith.constant 2 : i32
      %mul3A_35 = arith.muli %mul3A_34, %scan3A_20 : i32
      %add3A_36 = arith.constant 2 : i32
      %add3A_37 = arith.addi %mul3A_35, %add3A_36 : i32
      %mul3A_38 = arith.constant 80 : i32
      %mul3A_39 = arith.muli %add3A_37, %mul3A_38 : i32
      %add3A_40 = arith.addi %mul3A_4, %mul3A_39 : i32
      "tpu.region"() ({
        %run_scoped3A = tpu.sem_alloc : memref<!tpu.dma_semaphore, #tpu.memory_space<semaphore_mem>>
        %dma_start3A_47 = tpu.memref_slice %arg3[%add3A_40] : memref<161280xi32, #tpu.memory_space<hbm>> -> memref<80xi32, #tpu.memory_space<hbm>>
        %dma_start3A_48 = tpu.memref_slice %arg3[%add3A_40] : memref<161280xi32, #tpu.memory_space<hbm>> -> memref<80xi32, #tpu.memory_space<hbm>>
        tpu.enqueue_dma source(%dma_start3A_48 : memref<80xi32, #tpu.memory_space<hbm>>) target(%arg7 : memref<80xi32, #tpu.memory_space<vmem>>) target_semaphore(%run_scoped3A : memref<!tpu.dma_semaphore, #tpu.memory_space<semaphore_mem>>)
        %dma_wait3A_49 = tpu.memref_slice %arg3[%add3A_40] : memref<161280xi32, #tpu.memory_space<hbm>> -> memref<80xi32, #tpu.memory_space<hbm>>
        %dma_wait3A_50 = tpu.memref_slice %arg3[%add3A_40] : memref<161280xi32, #tpu.memory_space<hbm>> -> memref<80xi32, #tpu.memory_space<hbm>>
        tpu.wait_dma2 semaphore(%run_scoped3A : memref<!tpu.dma_semaphore, #tpu.memory_space<semaphore_mem>>) src(%dma_wait3A_50 : memref<80xi32, #tpu.memory_space<hbm>>) dst(%arg7 : memref<80xi32, #tpu.memory_space<vmem>>)
        tpu.yield
      }) : () -> ()
      "tpu.region"() ({
        %run_scoped3A = tpu.sem_alloc : memref<!tpu.dma_semaphore, #tpu.memory_space<semaphore_mem>>
        %dma_start3A_47 = tpu.memref_slice %arg4[%add3A_40] : memref<161280xi32, #tpu.memory_space<hbm>> -> memref<80xi32, #tpu.memory_space<hbm>>
        %dma_start3A_48 = tpu.memref_slice %arg4[%add3A_40] : memref<161280xi32, #tpu.memory_space<hbm>> -> memref<80xi32, #tpu.memory_space<hbm>>
        tpu.enqueue_dma source(%dma_start3A_48 : memref<80xi32, #tpu.memory_space<hbm>>) target(%arg8 : memref<80xi32, #tpu.memory_space<vmem>>) target_semaphore(%run_scoped3A : memref<!tpu.dma_semaphore, #tpu.memory_space<semaphore_mem>>)
        %dma_wait3A_49 = tpu.memref_slice %arg4[%add3A_40] : memref<161280xi32, #tpu.memory_space<hbm>> -> memref<80xi32, #tpu.memory_space<hbm>>
        %dma_wait3A_50 = tpu.memref_slice %arg4[%add3A_40] : memref<161280xi32, #tpu.memory_space<hbm>> -> memref<80xi32, #tpu.memory_space<hbm>>
        tpu.wait_dma2 semaphore(%run_scoped3A : memref<!tpu.dma_semaphore, #tpu.memory_space<semaphore_mem>>) src(%dma_wait3A_50 : memref<80xi32, #tpu.memory_space<hbm>>) dst(%arg8 : memref<80xi32, #tpu.memory_space<vmem>>)
        tpu.yield
      }) : () -> ()
      %dma_start3A_41 = arith.constant 0 : i32
      %dma_start3A_42 = arith.constant 0 : i32
      %dma_start3A_43 = tpu.memref_slice %arg2[%dma_start3A_41, %dma_start3A_42] : memref<10000x128xf32, #tpu.memory_space<hbm>> -> memref<10000x128xf32, #tpu.memory_space<hbm>>
      tpu.enqueue_indirect_dma source(%dma_start3A_43 : memref<10000x128xf32, #tpu.memory_space<hbm>>) target(%arg9 : memref<80x128xf32, #tpu.memory_space<vmem>>) offsets(%arg7 : memref<80xi32, #tpu.memory_space<vmem>>) semaphore(%arg14 : memref<!tpu.dma_semaphore, #tpu.memory_space<semaphore_mem>>)
      %dma_wait3A_44 = arith.constant 0 : i32
      %dma_wait3A_45 = arith.constant 0 : i32
      %dma_wait3A_46 = tpu.memref_slice %arg2[%dma_wait3A_44, %dma_wait3A_45] : memref<10000x128xf32, #tpu.memory_space<hbm>> -> memref<10000x128xf32, #tpu.memory_space<hbm>>
      tpu.wait_indirect_dma semaphore(%arg15 : memref<!tpu.dma_semaphore, #tpu.memory_space<semaphore_mem>>) src(%dma_wait3A_46 : memref<10000x128xf32, #tpu.memory_space<hbm>>) dst(%arg12 : memref<80x128xf32, #tpu.memory_space<vmem>>)
      "tpu.region"() ({
        %run_scoped3A = tpu.sem_alloc : memref<!tpu.dma_semaphore, #tpu.memory_space<semaphore_mem>>
        %dma_start3A_47 = arith.constant 0 : i32
        %dma_start3A_48 = arith.constant 0 : i32
        %dma_start3A_49 = tpu.memref_slice %arg13[%dma_start3A_47, %dma_start3A_48] : memref<10240x128xf32, #tpu.memory_space<vmem_shared>> -> memref<10240x128xf32, #tpu.memory_space<vmem_shared>>
        tpu.enqueue_indirect_dma source(%arg12 : memref<80x128xf32, #tpu.memory_space<vmem>>) target(%dma_start3A_49 : memref<10240x128xf32, #tpu.memory_space<vmem_shared>>) offsets(%arg11 : memref<80xi32, #tpu.memory_space<vmem>>) semaphore(%run_scoped3A : memref<!tpu.dma_semaphore, #tpu.memory_space<semaphore_mem>>) {add = true}
        %dma_wait3A_50 = arith.constant 0 : i32
        %dma_wait3A_51 = arith.constant 0 : i32
        %dma_wait3A_52 = tpu.memref_slice %arg13[%dma_wait3A_50, %dma_wait3A_51] : memref<10240x128xf32, #tpu.memory_space<vmem_shared>> -> memref<10240x128xf32, #tpu.memory_space<vmem_shared>>
        tpu.wait_indirect_dma semaphore(%run_scoped3A : memref<!tpu.dma_semaphore, #tpu.memory_space<semaphore_mem>>) src(%arg12 : memref<80x128xf32, #tpu.memory_space<vmem>>) dst(%dma_wait3A_52 : memref<10240x128xf32, #tpu.memory_space<vmem_shared>>)
        tpu.yield
      }) : () -> ()
    }
    %scan3A_13 = arith.constant 31 : i32
    %dma_wait3A = arith.constant 0 : i32
    %dma_wait3A_14 = arith.constant 0 : i32
    %dma_wait3A_15 = tpu.memref_slice %arg2[%dma_wait3A, %dma_wait3A_14] : memref<10000x128xf32, #tpu.memory_space<hbm>> -> memref<10000x128xf32, #tpu.memory_space<hbm>>
    tpu.wait_indirect_dma semaphore(%arg14 : memref<!tpu.dma_semaphore, #tpu.memory_space<semaphore_mem>>) src(%dma_wait3A_15 : memref<10000x128xf32, #tpu.memory_space<hbm>>) dst(%arg9 : memref<80x128xf32, #tpu.memory_space<vmem>>)
    "tpu.region"() ({
      %run_scoped3A = tpu.sem_alloc : memref<!tpu.dma_semaphore, #tpu.memory_space<semaphore_mem>>
      %dma_start3A_20 = arith.constant 0 : i32
      %dma_start3A_21 = arith.constant 0 : i32
      %dma_start3A_22 = tpu.memref_slice %arg13[%dma_start3A_20, %dma_start3A_21] : memref<10240x128xf32, #tpu.memory_space<vmem_shared>> -> memref<10240x128xf32, #tpu.memory_space<vmem_shared>>
      tpu.enqueue_indirect_dma source(%arg9 : memref<80x128xf32, #tpu.memory_space<vmem>>) target(%dma_start3A_22 : memref<10240x128xf32, #tpu.memory_space<vmem_shared>>) offsets(%arg8 : memref<80xi32, #tpu.memory_space<vmem>>) semaphore(%run_scoped3A : memref<!tpu.dma_semaphore, #tpu.memory_space<semaphore_mem>>) {add = true}
      %dma_wait3A_23 = arith.constant 0 : i32
      %dma_wait3A_24 = arith.constant 0 : i32
      %dma_wait3A_25 = tpu.memref_slice %arg13[%dma_wait3A_23, %dma_wait3A_24] : memref<10240x128xf32, #tpu.memory_space<vmem_shared>> -> memref<10240x128xf32, #tpu.memory_space<vmem_shared>>
      tpu.wait_indirect_dma semaphore(%run_scoped3A : memref<!tpu.dma_semaphore, #tpu.memory_space<semaphore_mem>>) src(%arg9 : memref<80x128xf32, #tpu.memory_space<vmem>>) dst(%dma_wait3A_25 : memref<10240x128xf32, #tpu.memory_space<vmem_shared>>)
      tpu.yield
    }) : () -> ()
    %barrier3A_16 = arith.constant 0 : index
    tpu.barrier barrier_id(%barrier3A_16)
    %mul3A_17 = arith.constant 10240 : i32
    %mul3A_18 = arith.muli %arg0, %mul3A_17 : i32
    %add3A_19 = arith.addi %mul3A_18, %mul3A_0 : i32
    "tpu.region"() ({
      %run_scoped3A = tpu.sem_alloc : memref<!tpu.dma_semaphore, #tpu.memory_space<semaphore_mem>>
      %dma_start3A_20 = arith.constant 0 : i32
      %dma_start3A_21 = tpu.memref_slice %arg6[%add3A_19, %dma_start3A_20] : memref<20480x128xf32, #tpu.memory_space<hbm>> -> memref<640x128xf32, #tpu.memory_space<hbm>>
      %dma_start3A_22 = arith.constant 0 : i32
      %dma_start3A_23 = tpu.memref_slice %arg13[%mul3A_0, %dma_start3A_22] : memref<10240x128xf32, #tpu.memory_space<vmem_shared>> -> memref<640x128xf32, #tpu.memory_space<vmem_shared>>
      tpu.enqueue_dma source(%dma_start3A_23 : memref<640x128xf32, #tpu.memory_space<vmem_shared>>) target(%dma_start3A_21 : memref<640x128xf32, #tpu.memory_space<hbm>>) target_semaphore(%run_scoped3A : memref<!tpu.dma_semaphore, #tpu.memory_space<semaphore_mem>>)
      %dma_wait3A_24 = arith.constant 0 : i32
      %dma_wait3A_25 = tpu.memref_slice %arg6[%add3A_19, %dma_wait3A_24] : memref<20480x128xf32, #tpu.memory_space<hbm>> -> memref<640x128xf32, #tpu.memory_space<hbm>>
      %dma_wait3A_26 = arith.constant 0 : i32
      %dma_wait3A_27 = tpu.memref_slice %arg13[%mul3A_0, %dma_wait3A_26] : memref<10240x128xf32, #tpu.memory_space<vmem_shared>> -> memref<640x128xf32, #tpu.memory_space<vmem_shared>>
      tpu.wait_dma2 semaphore(%run_scoped3A : memref<!tpu.dma_semaphore, #tpu.memory_space<semaphore_mem>>) src(%dma_wait3A_27 : memref<640x128xf32, #tpu.memory_space<vmem_shared>>) dst(%dma_wait3A_25 : memref<640x128xf32, #tpu.memory_space<hbm>>)
      tpu.yield
    }) : () -> ()
    return
  }
}

module attributes {stable_mosaic.version = 14 : i64} {
  func.func @_tca_body(%arg0: i32, %arg1: memref<1000x256xf32, #tpu.memory_space<vmem>>, %arg2: memref<256x256xf32, #tpu.memory_space<vmem>>, %arg3: memref<256x256xf32, #tpu.memory_space<vmem>>, %arg4: memref<256x128xf32, #tpu.memory_space<vmem>>, %arg5: memref<1x128xf32, #tpu.memory_space<vmem>>, %arg6: memref<2x1000x128xf32, #tpu.memory_space<vmem>>, %arg7: memref<1000x256xf32, #tpu.memory_space<vmem>>, %arg8: memref<1000x128xf32, #tpu.memory_space<vmem>>) attributes {dimension_semantics = [#tpu.dimension_semantics<arbitrary>], iteration_bounds = array<i64: 10>, scalar_prefetch = 0 : i64, scratch_operands = 0 : i64, tpu.core_type = #tpu.core_type<tc>, window_params = [{transform_indices = @transform_0, window_bounds = array<i64: 1000, 256>}, {pipeline_mode = #tpu.pipeline_mode<synchronous>, transform_indices = @transform_1, window_bounds = array<i64: 256, 256>}, {pipeline_mode = #tpu.pipeline_mode<synchronous>, transform_indices = @transform_2, window_bounds = array<i64: 256, 256>}, {pipeline_mode = #tpu.pipeline_mode<synchronous>, transform_indices = @transform_3, window_bounds = array<i64: 256, 128>}, {pipeline_mode = #tpu.pipeline_mode<synchronous>, transform_indices = @transform_4, window_bounds = array<i64: 1, 128>}, {transform_indices = @transform_5, window_bounds = array<i64: 2, 1000, 128>}, {transform_indices = @transform_6, window_bounds = array<i64: 1000, 256>}, {transform_indices = @transform_7, window_bounds = array<i64: 1000, 128>}]} {
    %get3A = arith.constant 0 : index
    %get3A_0 = arith.constant 0 : index
    %get3A_1 = vector.load %arg1[%get3A, %get3A_0] : memref<1000x256xf32, #tpu.memory_space<vmem>>, vector<1000x256xf32>
    %get3A_2 = arith.constant 0 : index
    %get3A_3 = arith.constant 0 : index
    %get3A_4 = vector.load %arg2[%get3A_2, %get3A_3] : memref<256x256xf32, #tpu.memory_space<vmem>>, vector<256x256xf32>
    %dot_general3A = arith.constant dense<0.000000e+00> : vector<1000x256xf32>
    %dot_general3A_5 = tpu.matmul %get3A_1, %get3A_4, %dot_general3A {dimension_numbers = #tpu.dot_dimension_numbers<[1], [0], [0], [1], [0, 0, 1, 1], [], []>, transpose_lhs_hint = false} : vector<1000x256xf32>, vector<256x256xf32>, vector<1000x256xf32> -> vector<1000x256xf32>
    %slice3A = vector.extract_strided_slice %dot_general3A_5 {offsets = [0, 0], sizes = [1000, 128], strides = [1, 1]} : vector<1000x256xf32> to vector<1000x128xf32>
    %swap3A = arith.constant 0 : index
    %swap3A_6 = arith.constant 0 : index
    %swap3A_7 = arith.constant 0 : index
    %swap3A_8 = vector.load %arg6[%swap3A, %swap3A_6, %swap3A_7] : memref<2x1000x128xf32, #tpu.memory_space<vmem>>, vector<1x1000x128xf32>
    %swap3A_9 = vector.shape_cast %swap3A_8 : vector<1x1000x128xf32> to vector<1000x128xf32>
    %swap3A_10 = vector.shape_cast %slice3A : vector<1000x128xf32> to vector<1x1000x128xf32>
    tpu.vector_store %arg6[%swap3A, %swap3A_6, %swap3A_7], %swap3A_10 {strides = array<i32>} : memref<2x1000x128xf32, #tpu.memory_space<vmem>>, vector<1x1000x128xf32>,
    %slice3A_11 = vector.extract_strided_slice %dot_general3A_5 {offsets = [0, 128], sizes = [1000, 128], strides = [1, 1]} : vector<1000x256xf32> to vector<1000x128xf32>
    %swap3A_12 = arith.constant 1 : index
    %swap3A_13 = arith.constant 0 : index
    %swap3A_14 = arith.constant 0 : index
    %swap3A_15 = vector.load %arg6[%swap3A_12, %swap3A_13, %swap3A_14] : memref<2x1000x128xf32, #tpu.memory_space<vmem>>, vector<1x1000x128xf32>
    %swap3A_16 = vector.shape_cast %swap3A_15 : vector<1x1000x128xf32> to vector<1000x128xf32>
    %swap3A_17 = vector.shape_cast %slice3A_11 : vector<1000x128xf32> to vector<1x1000x128xf32>
    tpu.vector_store %arg6[%swap3A_12, %swap3A_13, %swap3A_14], %swap3A_17 {strides = array<i32>} : memref<2x1000x128xf32, #tpu.memory_space<vmem>>, vector<1x1000x128xf32>,
    %get3A_18 = arith.constant 0 : index
    %get3A_19 = arith.constant 0 : index
    %get3A_20 = vector.load %arg3[%get3A_18, %get3A_19] : memref<256x256xf32, #tpu.memory_space<vmem>>, vector<256x256xf32>
    %dot_general3A_21 = arith.constant dense<0.000000e+00> : vector<1000x256xf32>
    %dot_general3A_22 = tpu.matmul %get3A_1, %get3A_20, %dot_general3A_21 {dimension_numbers = #tpu.dot_dimension_numbers<[1], [0], [0], [1], [0, 0, 1, 1], [], []>, transpose_lhs_hint = false} : vector<1000x256xf32>, vector<256x256xf32>, vector<1000x256xf32> -> vector<1000x256xf32>
    %swap3A_23 = arith.constant 0 : index
    %swap3A_24 = arith.constant 0 : index
    %swap3A_25 = vector.load %arg7[%swap3A_23, %swap3A_24] : memref<1000x256xf32, #tpu.memory_space<vmem>>, vector<1000x256xf32>
    tpu.vector_store %arg7[%swap3A_23, %swap3A_24], %dot_general3A_22 {strides = array<i32>} : memref<1000x256xf32, #tpu.memory_space<vmem>>, vector<1000x256xf32>,
    %get3A_26 = arith.constant 0 : index
    %get3A_27 = arith.constant 0 : index
    %get3A_28 = vector.load %arg4[%get3A_26, %get3A_27] : memref<256x128xf32, #tpu.memory_space<vmem>>, vector<256x128xf32>
    %dot_general3A_29 = arith.constant dense<0.000000e+00> : vector<1000x128xf32>
    %dot_general3A_30 = tpu.matmul %get3A_1, %get3A_28, %dot_general3A_29 {dimension_numbers = #tpu.dot_dimension_numbers<[1], [0], [0], [1], [0, 0, 1, 1], [], []>, transpose_lhs_hint = false} : vector<1000x256xf32>, vector<256x128xf32>, vector<1000x128xf32> -> vector<1000x128xf32>
    %get3A_31 = arith.constant 0 : index
    %get3A_32 = arith.constant 0 : index
    %get3A_33 = vector.load %arg5[%get3A_31, %get3A_32] : memref<1x128xf32, #tpu.memory_space<vmem>>, vector<1x128xf32>
    %add3A = vector.broadcast %get3A_33 : vector<1x128xf32> to vector<1000x128xf32>
    %add3A_34 = arith.addf %dot_general3A_30, %add3A : vector<1000x128xf32>
    %swap3A_35 = arith.constant 0 : index
    %swap3A_36 = arith.constant 0 : index
    %swap3A_37 = vector.load %arg8[%swap3A_35, %swap3A_36] : memref<1000x128xf32, #tpu.memory_space<vmem>>, vector<1000x128xf32>
    tpu.vector_store %arg8[%swap3A_35, %swap3A_36], %add3A_34 {strides = array<i32>} : memref<1000x128xf32, #tpu.memory_space<vmem>>, vector<1000x128xf32>,
    return
  }
  func.func @transform_0(%arg0: i32) -> (i32, i32) {
    %c0_i32 = arith.constant 0 : i32
    %c0_i32_0 = arith.constant 0 : i32
    return %arg0, %c0_i32 : i32, i32
  }
  func.func @transform_1(%arg0: i32) -> (i32, i32) {
    %c0_i32 = arith.constant 0 : i32
    %c0_i32_0 = arith.constant 0 : i32
    %c0_i32_1 = arith.constant 0 : i32
    return %c0_i32, %c0_i32_0 : i32, i32
  }
  func.func @transform_2(%arg0: i32) -> (i32, i32) {
    %c0_i32 = arith.constant 0 : i32
    %c0_i32_0 = arith.constant 0 : i32
    %c0_i32_1 = arith.constant 0 : i32
    return %c0_i32, %c0_i32_0 : i32, i32
  }
  func.func @transform_3(%arg0: i32) -> (i32, i32) {
    %c0_i32 = arith.constant 0 : i32
    %c0_i32_0 = arith.constant 0 : i32
    %c0_i32_1 = arith.constant 0 : i32
    return %c0_i32, %c0_i32_0 : i32, i32
  }
  func.func @transform_4(%arg0: i32) -> (i32, i32) {
    %c0_i32 = arith.constant 0 : i32
    %c0_i32_0 = arith.constant 0 : i32
    %c0_i32_1 = arith.constant 0 : i32
    return %c0_i32, %c0_i32_0 : i32, i32
  }
  func.func @transform_5(%arg0: i32) -> (i32, i32, i32) {
    %c0_i32 = arith.constant 0 : i32
    %c0_i32_0 = arith.constant 0 : i32
    %c0_i32_1 = arith.constant 0 : i32
    return %c0_i32, %arg0, %c0_i32_0 : i32, i32, i32
  }
  func.func @transform_6(%arg0: i32) -> (i32, i32) {
    %c0_i32 = arith.constant 0 : i32
    %c0_i32_0 = arith.constant 0 : i32
    return %arg0, %c0_i32 : i32, i32
  }
  func.func @transform_7(%arg0: i32) -> (i32, i32) {
    %c0_i32 = arith.constant 0 : i32
    %c0_i32_0 = arith.constant 0 : i32
    return %arg0, %c0_i32 : i32, i32
  }
}

module attributes {stable_mosaic.version = 14 : i64} {
  func.func @_tcc_body(%arg0: i32, %arg1: memref<2x1000x128xf32, #tpu.memory_space<vmem>>, %arg2: memref<2x1000x8xf32, #tpu.memory_space<vmem>>, %arg3: memref<1000x128xf32, #tpu.memory_space<vmem>>, %arg4: memref<1000x128xf32, #tpu.memory_space<vmem>>, %arg5: memref<1x128xf32, #tpu.memory_space<vmem>>, %arg6: memref<1000x128xf32, #tpu.memory_space<vmem>>) attributes {dimension_semantics = [#tpu.dimension_semantics<arbitrary>], iteration_bounds = array<i64: 10>, scalar_prefetch = 0 : i64, scratch_operands = 0 : i64, tpu.core_type = #tpu.core_type<tc>, window_params = [{transform_indices = @transform_0, window_bounds = array<i64: 2, 1000, 128>}, {transform_indices = @transform_1, window_bounds = array<i64: 2, 1000, 8>}, {transform_indices = @transform_2, window_bounds = array<i64: 1000, 128>}, {transform_indices = @transform_3, window_bounds = array<i64: 1000, 128>}, {pipeline_mode = #tpu.pipeline_mode<synchronous>, transform_indices = @transform_4, window_bounds = array<i64: 1, 128>}, {transform_indices = @transform_5, window_bounds = array<i64: 1000, 128>}]} {
    %get3A = arith.constant 0 : index
    %get3A_0 = arith.constant 0 : index
    %get3A_1 = arith.constant 0 : index
    %get3A_2 = vector.load %arg2[%get3A, %get3A_0, %get3A_1] : memref<2x1000x8xf32, #tpu.memory_space<vmem>>, vector<1x1000x1xf32>
    %get3A_3 = vector.shape_cast %get3A_2 : vector<1x1000x1xf32> to vector<1000x1xf32>
    %get3A_4 = arith.constant 1 : index
    %get3A_5 = arith.constant 0 : index
    %get3A_6 = arith.constant 0 : index
    %get3A_7 = vector.load %arg2[%get3A_4, %get3A_5, %get3A_6] : memref<2x1000x8xf32, #tpu.memory_space<vmem>>, vector<1x1000x1xf32>
    %get3A_8 = vector.shape_cast %get3A_7 : vector<1x1000x1xf32> to vector<1000x1xf32>
    %add3A = arith.addf %get3A_3, %get3A_8 : vector<1000x1xf32>
    %max3A = arith.constant 1.000000e+00 : f32
    %max3A_9 = vector.broadcast %max3A : f32 to vector<1000x1xf32>
    %max3A_10 = arith.maximumf %add3A, %max3A_9 : vector<1000x1xf32>
    %div3A = arith.constant 1.000000e+00 : f32
    %div3A_11 = vector.broadcast %div3A : f32 to vector<1000x1xf32>
    %div3A_12 = arith.divf %div3A_11, %max3A_10 : vector<1000x1xf32>
    %get3A_13 = arith.constant 0 : index
    %get3A_14 = arith.constant 0 : index
    %get3A_15 = arith.constant 0 : index
    %get3A_16 = vector.load %arg1[%get3A_13, %get3A_14, %get3A_15] : memref<2x1000x128xf32, #tpu.memory_space<vmem>>, vector<1x1000x128xf32>
    %get3A_17 = vector.shape_cast %get3A_16 : vector<1x1000x128xf32> to vector<1000x128xf32>
    %get3A_18 = arith.constant 1 : index
    %get3A_19 = arith.constant 0 : index
    %get3A_20 = arith.constant 0 : index
    %get3A_21 = vector.load %arg1[%get3A_18, %get3A_19, %get3A_20] : memref<2x1000x128xf32, #tpu.memory_space<vmem>>, vector<1x1000x128xf32>
    %get3A_22 = vector.shape_cast %get3A_21 : vector<1x1000x128xf32> to vector<1000x128xf32>
    %add3A_23 = arith.addf %get3A_17, %get3A_22 : vector<1000x128xf32>
    %mul3A = vector.broadcast %div3A_12 : vector<1000x1xf32> to vector<1000x128xf32>
    %mul3A_24 = arith.mulf %add3A_23, %mul3A : vector<1000x128xf32>
    %get3A_25 = arith.constant 0 : index
    %get3A_26 = arith.constant 0 : index
    %get3A_27 = vector.load %arg5[%get3A_25, %get3A_26] : memref<1x128xf32, #tpu.memory_space<vmem>>, vector<1x128xf32>
    %add3A_28 = vector.broadcast %get3A_27 : vector<1x128xf32> to vector<1000x128xf32>
    %add3A_29 = arith.addf %mul3A_24, %add3A_28 : vector<1000x128xf32>
    %get3A_30 = arith.constant 0 : index
    %get3A_31 = arith.constant 0 : index
    %get3A_32 = vector.load %arg3[%get3A_30, %get3A_31] : memref<1000x128xf32, #tpu.memory_space<vmem>>, vector<1000x128xf32>
    %add3A_33 = arith.addf %add3A_29, %get3A_32 : vector<1000x128xf32>
    %mul3A_34 = arith.mulf %add3A_33, %add3A_33 : vector<1000x128xf32>
    %reduce_sum3A = arith.constant dense<0.000000e+00> : vector<1000xf32>
    %reduce_sum3A_35 = vector.multi_reduction <add>, %mul3A_34, %reduce_sum3A [1] : vector<1000x128xf32> to vector<1000xf32>
    %broadcast_in_dim3A = vector.shape_cast %reduce_sum3A_35 : vector<1000xf32> to vector<1000x1xf32>
    %sqrt3A = math.sqrt %broadcast_in_dim3A : vector<1000x1xf32>
    %max3A_36 = arith.constant 9.99999996E-13 : f32
    %max3A_37 = vector.broadcast %max3A_36 : f32 to vector<1000x1xf32>
    %max3A_38 = arith.maximumf %sqrt3A, %max3A_37 : vector<1000x1xf32>
    %div3A_39 = vector.broadcast %max3A_38 : vector<1000x1xf32> to vector<1000x128xf32>
    %div3A_40 = arith.divf %add3A_33, %div3A_39 : vector<1000x128xf32>
    %get3A_41 = arith.constant 0 : index
    %get3A_42 = arith.constant 0 : index
    %get3A_43 = vector.load %arg4[%get3A_41, %get3A_42] : memref<1000x128xf32, #tpu.memory_space<vmem>>, vector<1000x128xf32>
    %add3A_44 = arith.addf %div3A_40, %get3A_43 : vector<1000x128xf32>
    %mul3A_45 = arith.mulf %add3A_44, %add3A_44 : vector<1000x128xf32>
    %reduce_sum3A_46 = arith.constant dense<0.000000e+00> : vector<1000xf32>
    %reduce_sum3A_47 = vector.multi_reduction <add>, %mul3A_45, %reduce_sum3A_46 [1] : vector<1000x128xf32> to vector<1000xf32>
    %broadcast_in_dim3A_48 = vector.shape_cast %reduce_sum3A_47 : vector<1000xf32> to vector<1000x1xf32>
    %sqrt3A_49 = math.sqrt %broadcast_in_dim3A_48 : vector<1000x1xf32>
    %max3A_50 = arith.constant 9.99999996E-13 : f32
    %max3A_51 = vector.broadcast %max3A_50 : f32 to vector<1000x1xf32>
    %max3A_52 = arith.maximumf %sqrt3A_49, %max3A_51 : vector<1000x1xf32>
    %div3A_53 = vector.broadcast %max3A_52 : vector<1000x1xf32> to vector<1000x128xf32>
    %div3A_54 = arith.divf %add3A_44, %div3A_53 : vector<1000x128xf32>
    %swap3A = arith.constant 0 : index
    %swap3A_55 = arith.constant 0 : index
    %swap3A_56 = vector.load %arg6[%swap3A, %swap3A_55] : memref<1000x128xf32, #tpu.memory_space<vmem>>, vector<1000x128xf32>
    tpu.vector_store %arg6[%swap3A, %swap3A_55], %div3A_54 {strides = array<i32>} : memref<1000x128xf32, #tpu.memory_space<vmem>>, vector<1000x128xf32>,
    return
  }
  func.func @transform_0(%arg0: i32) -> (i32, i32, i32) {
    %c0_i32 = arith.constant 0 : i32
    %c0_i32_0 = arith.constant 0 : i32
    %c0_i32_1 = arith.constant 0 : i32
    return %c0_i32, %arg0, %c0_i32_0 : i32, i32, i32
  }
  func.func @transform_1(%arg0: i32) -> (i32, i32, i32) {
    %c0_i32 = arith.constant 0 : i32
    %c0_i32_0 = arith.constant 0 : i32
    %c0_i32_1 = arith.constant 0 : i32
    return %c0_i32, %arg0, %c0_i32_0 : i32, i32, i32
  }
  func.func @transform_2(%arg0: i32) -> (i32, i32) {
    %c0_i32 = arith.constant 0 : i32
    %c0_i32_0 = arith.constant 0 : i32
    return %arg0, %c0_i32 : i32, i32
  }
  func.func @transform_3(%arg0: i32) -> (i32, i32) {
    %c0_i32 = arith.constant 0 : i32
    %c0_i32_0 = arith.constant 0 : i32
    return %arg0, %c0_i32 : i32, i32
  }
  func.func @transform_4(%arg0: i32) -> (i32, i32) {
    %c0_i32 = arith.constant 0 : i32
    %c0_i32_0 = arith.constant 0 : i32
    %c0_i32_1 = arith.constant 0 : i32
    return %c0_i32, %c0_i32_0 : i32, i32
  }
  func.func @transform_5(%arg0: i32) -> (i32, i32) {
    %c0_i32 = arith.constant 0 : i32
    %c0_i32_0 = arith.constant 0 : i32
    return %arg0, %c0_i32 : i32, i32
  }
}

module attributes {stable_mosaic.version = 14 : i64} {
  func.func @_tcb_body(%arg0: i32, %arg1: i32, %arg2: memref<2x1000x128xf32, #tpu.memory_space<vmem>>, %arg3: memref<2x1000x8xf32, #tpu.memory_space<vmem>>, %arg4: memref<1000x256xf32, #tpu.memory_space<vmem>>, %arg5: memref<1x256xf32, #tpu.memory_space<vmem>>, %arg6: memref<1x256xf32, #tpu.memory_space<vmem>>, %arg7: memref<1x256xf32, #tpu.memory_space<vmem>>, %arg8: memref<256x128xf32, #tpu.memory_space<vmem>>, %arg9: memref<256x128xf32, #tpu.memory_space<vmem>>, %arg10: memref<1000x128xf32, #tpu.memory_space<vmem>>, %arg11: memref<1000x128xf32, #tpu.memory_space<vmem>>, %arg12: memref<10000x256xf32, #tpu.memory_space<vmem>>, %arg13: memref<2x256xf32, #tpu.memory_space<vmem>>) attributes {dimension_semantics = [#tpu.dimension_semantics<arbitrary>, #tpu.dimension_semantics<arbitrary>], iteration_bounds = array<i64: 2, 10>, scalar_prefetch = 0 : i64, scratch_operands = 2 : i64, tpu.core_type = #tpu.core_type<tc>, window_params = [{transform_indices = @transform_0, window_bounds = array<i64: 2, 1000, 128>}, {transform_indices = @transform_1, window_bounds = array<i64: 2, 1000, 8>}, {transform_indices = @transform_2, window_bounds = array<i64: 1000, 256>}, {pipeline_mode = #tpu.pipeline_mode<synchronous>, transform_indices = @transform_3, window_bounds = array<i64: 1, 256>}, {pipeline_mode = #tpu.pipeline_mode<synchronous>, transform_indices = @transform_4, window_bounds = array<i64: 1, 256>}, {pipeline_mode = #tpu.pipeline_mode<synchronous>, transform_indices = @transform_5, window_bounds = array<i64: 1, 256>}, {pipeline_mode = #tpu.pipeline_mode<synchronous>, transform_indices = @transform_6, window_bounds = array<i64: 256, 128>}, {pipeline_mode = #tpu.pipeline_mode<synchronous>, transform_indices = @transform_7, window_bounds = array<i64: 256, 128>}, {transform_indices = @transform_8, window_bounds = array<i64: 1000, 128>}, {transform_indices = @transform_9, window_bounds = array<i64: 1000, 128>}]} {
    %eq3A = arith.constant 0 : i32
    %eq3A_0 = arith.cmpi eq, %arg0, %eq3A : i32
    %convert_element_type3A = arith.extui %eq3A_0 : i1 to i32
    %cond3A = arith.constant 0 : i32
    %cond3A_1 = arith.cmpi ne, %convert_element_type3A, %cond3A : i32
    scf.if %cond3A_1 {
      %eq3A_7 = arith.constant 0 : i32
      %eq3A_8 = arith.cmpi eq, %arg1, %eq3A_7 : i32
      %convert_element_type3A_9 = arith.extui %eq3A_8 : i1 to i32
      %cond3A_10 = arith.constant 0 : i32
      %cond3A_11 = arith.cmpi ne, %convert_element_type3A_9, %cond3A_10 : i32
      scf.if %cond3A_11 {
        %broadcast_in_dim3A_77 = arith.constant 0.000000e+00 : f32
        %broadcast_in_dim3A_78 = vector.broadcast %broadcast_in_dim3A_77 : f32 to vector<2x256xf32>
        %swap3A_79 = arith.constant 0 : index
        %swap3A_80 = arith.constant 0 : index
        %swap3A_81 = vector.load %arg13[%swap3A_79, %swap3A_80] : memref<2x256xf32, #tpu.memory_space<vmem>>, vector<2x256xf32>
        tpu.vector_store %arg13[%swap3A_79, %swap3A_80], %broadcast_in_dim3A_78 {strides = array<i32>} : memref<2x256xf32, #tpu.memory_space<vmem>>, vector<2x256xf32>,
      } else {
      }
      %get3A = arith.constant 0 : index
      %get3A_12 = arith.constant 0 : index
      %get3A_13 = arith.constant 0 : index
      %get3A_14 = vector.load %arg3[%get3A, %get3A_12, %get3A_13] : memref<2x1000x8xf32, #tpu.memory_space<vmem>>, vector<1x1000x1xf32>
      %get3A_15 = vector.shape_cast %get3A_14 : vector<1x1000x1xf32> to vector<1000x1xf32>
      %get3A_16 = arith.constant 1 : index
      %get3A_17 = arith.constant 0 : index
      %get3A_18 = arith.constant 0 : index
      %get3A_19 = vector.load %arg3[%get3A_16, %get3A_17, %get3A_18] : memref<2x1000x8xf32, #tpu.memory_space<vmem>>, vector<1x1000x1xf32>
      %get3A_20 = vector.shape_cast %get3A_19 : vector<1x1000x1xf32> to vector<1000x1xf32>
      %add3A = arith.addf %get3A_15, %get3A_20 : vector<1000x1xf32>
      %max3A = arith.constant 1.000000e+00 : f32
      %max3A_21 = vector.broadcast %max3A : f32 to vector<1000x1xf32>
      %max3A_22 = arith.maximumf %add3A, %max3A_21 : vector<1000x1xf32>
      %div3A = arith.constant 1.000000e+00 : f32
      %div3A_23 = vector.broadcast %div3A : f32 to vector<1000x1xf32>
      %div3A_24 = arith.divf %div3A_23, %max3A_22 : vector<1000x1xf32>
      %get3A_25 = arith.constant 0 : index
      %get3A_26 = arith.constant 0 : index
      %get3A_27 = arith.constant 0 : index
      %get3A_28 = vector.load %arg2[%get3A_25, %get3A_26, %get3A_27] : memref<2x1000x128xf32, #tpu.memory_space<vmem>>, vector<1x1000x128xf32>
      %get3A_29 = vector.shape_cast %get3A_28 : vector<1x1000x128xf32> to vector<1000x128xf32>
      %get3A_30 = arith.constant 1 : index
      %get3A_31 = arith.constant 0 : index
      %get3A_32 = arith.constant 0 : index
      %get3A_33 = vector.load %arg2[%get3A_30, %get3A_31, %get3A_32] : memref<2x1000x128xf32, #tpu.memory_space<vmem>>, vector<1x1000x128xf32>
      %get3A_34 = vector.shape_cast %get3A_33 : vector<1x1000x128xf32> to vector<1000x128xf32>
      %concatenate3A = tpu.concatenate %get3A_29, %get3A_34 in 1 : vector<1000x128xf32>, vector<1000x128xf32> -> vector<1000x256xf32>
      %mul3A = vector.broadcast %div3A_24 : vector<1000x1xf32> to vector<1000x256xf32>
      %mul3A_35 = arith.mulf %concatenate3A, %mul3A : vector<1000x256xf32>
      %get3A_36 = arith.constant 0 : index
      %get3A_37 = arith.constant 0 : index
      %get3A_38 = vector.load %arg5[%get3A_36, %get3A_37] : memref<1x256xf32, #tpu.memory_space<vmem>>, vector<1x256xf32>
      %add3A_39 = vector.broadcast %get3A_38 : vector<1x256xf32> to vector<1000x256xf32>
      %add3A_40 = arith.addf %mul3A_35, %add3A_39 : vector<1000x256xf32>
      %get3A_41 = arith.constant 0 : index
      %get3A_42 = arith.constant 0 : index
      %get3A_43 = vector.load %arg4[%get3A_41, %get3A_42] : memref<1000x256xf32, #tpu.memory_space<vmem>>, vector<1000x256xf32>
      %add3A_44 = arith.addf %add3A_40, %get3A_43 : vector<1000x256xf32>
      %mul3A_45 = arith.mulf %add3A_44, %add3A_44 : vector<1000x256xf32>
      %reduce_sum3A = arith.constant dense<0.000000e+00> : vector<1000xf32>
      %reduce_sum3A_46 = vector.multi_reduction <add>, %mul3A_45, %reduce_sum3A [1] : vector<1000x256xf32> to vector<1000xf32>
      %broadcast_in_dim3A = vector.shape_cast %reduce_sum3A_46 : vector<1000xf32> to vector<1000x1xf32>
      %sqrt3A = math.sqrt %broadcast_in_dim3A : vector<1000x1xf32>
      %max3A_47 = arith.constant 9.99999996E-13 : f32
      %max3A_48 = vector.broadcast %max3A_47 : f32 to vector<1000x1xf32>
      %max3A_49 = arith.maximumf %sqrt3A, %max3A_48 : vector<1000x1xf32>
      %div3A_50 = vector.broadcast %max3A_49 : vector<1000x1xf32> to vector<1000x256xf32>
      %div3A_51 = arith.divf %add3A_44, %div3A_50 : vector<1000x256xf32>
      %mul3A_52 = arith.constant 1000 : i32
      %mul3A_53 = arith.muli %arg1, %mul3A_52 : i32
      %swap3A = arith.index_cast %mul3A_53 : i32 to index
      %swap3A_54 = arith.constant 0 : index
      %swap3A_55 = vector.load %arg12[%swap3A, %swap3A_54] : memref<10000x256xf32, #tpu.memory_space<vmem>>, vector<1000x256xf32>
      tpu.vector_store %arg12[%swap3A, %swap3A_54], %div3A_51 {strides = array<i32>} : memref<10000x256xf32, #tpu.memory_space<vmem>>, vector<1000x256xf32>,
      %get3A_56 = arith.constant 0 : index
      %get3A_57 = arith.constant 0 : index
      %get3A_58 = vector.load %arg13[%get3A_56, %get3A_57] : memref<2x256xf32, #tpu.memory_space<vmem>>, vector<1x256xf32>
      %reduce_sum3A_59 = arith.constant dense<0.000000e+00> : vector<256xf32>
      %reduce_sum3A_60 = vector.multi_reduction <add>, %div3A_51, %reduce_sum3A_59 [0] : vector<1000x256xf32> to vector<256xf32>
      %broadcast_in_dim3A_61 = vector.shape_cast %reduce_sum3A_60 : vector<256xf32> to vector<1x256xf32>
      %add3A_62 = arith.addf %get3A_58, %broadcast_in_dim3A_61 : vector<1x256xf32>
      %swap3A_63 = arith.constant 0 : index
      %swap3A_64 = arith.constant 0 : index
      %swap3A_65 = vector.load %arg13[%swap3A_63, %swap3A_64] : memref<2x256xf32, #tpu.memory_space<vmem>>, vector<1x256xf32>
      tpu.vector_store %arg13[%swap3A_63, %swap3A_64], %add3A_62 {strides = array<i32>} : memref<2x256xf32, #tpu.memory_space<vmem>>, vector<1x256xf32>,
      %get3A_66 = arith.constant 1 : index
      %get3A_67 = arith.constant 0 : index
      %get3A_68 = vector.load %arg13[%get3A_66, %get3A_67] : memref<2x256xf32, #tpu.memory_space<vmem>>, vector<1x256xf32>
      %mul3A_69 = arith.mulf %div3A_51, %div3A_51 : vector<1000x256xf32>
      %reduce_sum3A_70 = arith.constant dense<0.000000e+00> : vector<256xf32>
      %reduce_sum3A_71 = vector.multi_reduction <add>, %mul3A_69, %reduce_sum3A_70 [0] : vector<1000x256xf32> to vector<256xf32>
      %broadcast_in_dim3A_72 = vector.shape_cast %reduce_sum3A_71 : vector<256xf32> to vector<1x256xf32>
      %add3A_73 = arith.addf %get3A_68, %broadcast_in_dim3A_72 : vector<1x256xf32>
      %swap3A_74 = arith.constant 1 : index
      %swap3A_75 = arith.constant 0 : index
      %swap3A_76 = vector.load %arg13[%swap3A_74, %swap3A_75] : memref<2x256xf32, #tpu.memory_space<vmem>>, vector<1x256xf32>
      tpu.vector_store %arg13[%swap3A_74, %swap3A_75], %add3A_73 {strides = array<i32>} : memref<2x256xf32, #tpu.memory_space<vmem>>, vector<1x256xf32>,
    } else {
    }
    %eq3A_2 = arith.constant 1 : i32
    %eq3A_3 = arith.cmpi eq, %arg0, %eq3A_2 : i32
    %convert_element_type3A_4 = arith.extui %eq3A_3 : i1 to i32
    %cond3A_5 = arith.constant 0 : i32
    %cond3A_6 = arith.cmpi ne, %convert_element_type3A_4, %cond3A_5 : i32
    scf.if %cond3A_6 {
      %get3A = arith.constant 0 : index
      %get3A_7 = arith.constant 0 : index
      %get3A_8 = vector.load %arg13[%get3A, %get3A_7] : memref<2x256xf32, #tpu.memory_space<vmem>>, vector<1x256xf32>
      %div3A = arith.constant 1.000000e+04 : f32
      %div3A_9 = vector.broadcast %div3A : f32 to vector<1x256xf32>
      %div3A_10 = arith.divf %get3A_8, %div3A_9 : vector<1x256xf32>
      %get3A_11 = arith.constant 1 : index
      %get3A_12 = arith.constant 0 : index
      %get3A_13 = vector.load %arg13[%get3A_11, %get3A_12] : memref<2x256xf32, #tpu.memory_space<vmem>>, vector<1x256xf32>
      %div3A_14 = arith.constant 1.000000e+04 : f32
      %div3A_15 = vector.broadcast %div3A_14 : f32 to vector<1x256xf32>
      %div3A_16 = arith.divf %get3A_13, %div3A_15 : vector<1x256xf32>
      %mul3A = arith.mulf %div3A_10, %div3A_10 : vector<1x256xf32>
      %sub3A = arith.subf %div3A_16, %mul3A : vector<1x256xf32>
      %mul3A_17 = arith.constant 1000 : i32
      %mul3A_18 = arith.muli %arg1, %mul3A_17 : i32
      %get3A_19 = arith.index_cast %mul3A_18 : i32 to index
      %get3A_20 = arith.constant 0 : index
      %get3A_21 = vector.load %arg12[%get3A_19, %get3A_20] : memref<10000x256xf32, #tpu.memory_space<vmem>>, vector<1000x256xf32>
      %get3A_22 = arith.constant 0 : index
      %get3A_23 = arith.constant 0 : index
      %get3A_24 = vector.load %arg6[%get3A_22, %get3A_23] : memref<1x256xf32, #tpu.memory_space<vmem>>, vector<1x256xf32>
      %sub3A_25 = vector.broadcast %div3A_10 : vector<1x256xf32> to vector<1000x256xf32>
      %sub3A_26 = arith.subf %get3A_21, %sub3A_25 : vector<1000x256xf32>
      %mul3A_27 = vector.broadcast %get3A_24 : vector<1x256xf32> to vector<1000x256xf32>
      %mul3A_28 = arith.mulf %mul3A_27, %sub3A_26 : vector<1000x256xf32>
      %add3A = arith.constant 9.99999974E-6 : f32
      %add3A_29 = vector.broadcast %add3A : f32 to vector<1x256xf32>
      %add3A_30 = arith.addf %sub3A, %add3A_29 : vector<1x256xf32>
      %rsqrt3A = math.rsqrt %add3A_30 : vector<1x256xf32>
      %mul3A_31 = vector.broadcast %rsqrt3A : vector<1x256xf32> to vector<1000x256xf32>
      %mul3A_32 = arith.mulf %mul3A_28, %mul3A_31 : vector<1000x256xf32>
      %get3A_33 = arith.constant 0 : index
      %get3A_34 = arith.constant 0 : index
      %get3A_35 = vector.load %arg7[%get3A_33, %get3A_34] : memref<1x256xf32, #tpu.memory_space<vmem>>, vector<1x256xf32>
      %add3A_36 = vector.broadcast %get3A_35 : vector<1x256xf32> to vector<1000x256xf32>
      %add3A_37 = arith.addf %mul3A_32, %add3A_36 : vector<1000x256xf32>
      %max3A = arith.constant 0.000000e+00 : f32
      %max3A_38 = vector.broadcast %max3A : f32 to vector<1000x256xf32>
      %max3A_39 = arith.maximumf %add3A_37, %max3A_38 : vector<1000x256xf32>
      %get3A_40 = arith.constant 0 : index
      %get3A_41 = arith.constant 0 : index
      %get3A_42 = vector.load %arg8[%get3A_40, %get3A_41] : memref<256x128xf32, #tpu.memory_space<vmem>>, vector<256x128xf32>
      %dot_general3A = arith.constant dense<0.000000e+00> : vector<1000x128xf32>
      %dot_general3A_43 = tpu.matmul %max3A_39, %get3A_42, %dot_general3A {dimension_numbers = #tpu.dot_dimension_numbers<[1], [0], [0], [1], [0, 0, 1, 1], [], []>, transpose_lhs_hint = false} : vector<1000x256xf32>, vector<256x128xf32>, vector<1000x128xf32> -> vector<1000x128xf32>
      %swap3A = arith.constant 0 : index
      %swap3A_44 = arith.constant 0 : index
      %swap3A_45 = vector.load %arg10[%swap3A, %swap3A_44] : memref<1000x128xf32, #tpu.memory_space<vmem>>, vector<1000x128xf32>
      tpu.vector_store %arg10[%swap3A, %swap3A_44], %dot_general3A_43 {strides = array<i32>} : memref<1000x128xf32, #tpu.memory_space<vmem>>, vector<1000x128xf32>,
      %get3A_46 = arith.constant 0 : index
      %get3A_47 = arith.constant 0 : index
      %get3A_48 = vector.load %arg9[%get3A_46, %get3A_47] : memref<256x128xf32, #tpu.memory_space<vmem>>, vector<256x128xf32>
      %dot_general3A_49 = arith.constant dense<0.000000e+00> : vector<1000x128xf32>
      %dot_general3A_50 = tpu.matmul %max3A_39, %get3A_48, %dot_general3A_49 {dimension_numbers = #tpu.dot_dimension_numbers<[1], [0], [0], [1], [0, 0, 1, 1], [], []>, transpose_lhs_hint = false} : vector<1000x256xf32>, vector<256x128xf32>, vector<1000x128xf32> -> vector<1000x128xf32>
      %swap3A_51 = arith.constant 0 : index
      %swap3A_52 = arith.constant 0 : index
      %swap3A_53 = vector.load %arg11[%swap3A_51, %swap3A_52] : memref<1000x128xf32, #tpu.memory_space<vmem>>, vector<1000x128xf32>
      tpu.vector_store %arg11[%swap3A_51, %swap3A_52], %dot_general3A_50 {strides = array<i32>} : memref<1000x128xf32, #tpu.memory_space<vmem>>, vector<1000x128xf32>,
    } else {
    }
    return
  }
  func.func @transform_0(%arg0: i32, %arg1: i32) -> (i32, i32, i32) {
    %c0_i32 = arith.constant 0 : i32
    %c0_i32_0 = arith.constant 0 : i32
    %c0_i32_1 = arith.constant 0 : i32
    return %c0_i32, %arg1, %c0_i32_0 : i32, i32, i32
  }
  func.func @transform_1(%arg0: i32, %arg1: i32) -> (i32, i32, i32) {
    %c0_i32 = arith.constant 0 : i32
    %c0_i32_0 = arith.constant 0 : i32
    %c0_i32_1 = arith.constant 0 : i32
    return %c0_i32, %arg1, %c0_i32_0 : i32, i32, i32
  }
  func.func @transform_2(%arg0: i32, %arg1: i32) -> (i32, i32) {
    %c0_i32 = arith.constant 0 : i32
    %c0_i32_0 = arith.constant 0 : i32
    return %arg1, %c0_i32 : i32, i32
  }
  func.func @transform_3(%arg0: i32, %arg1: i32) -> (i32, i32) {
    %c0_i32 = arith.constant 0 : i32
    %c0_i32_0 = arith.constant 0 : i32
    %c0_i32_1 = arith.constant 0 : i32
    return %c0_i32, %c0_i32_0 : i32, i32
  }
  func.func @transform_4(%arg0: i32, %arg1: i32) -> (i32, i32) {
    %c0_i32 = arith.constant 0 : i32
    %c0_i32_0 = arith.constant 0 : i32
    %c0_i32_1 = arith.constant 0 : i32
    return %c0_i32, %c0_i32_0 : i32, i32
  }
  func.func @transform_5(%arg0: i32, %arg1: i32) -> (i32, i32) {
    %c0_i32 = arith.constant 0 : i32
    %c0_i32_0 = arith.constant 0 : i32
    %c0_i32_1 = arith.constant 0 : i32
    return %c0_i32, %c0_i32_0 : i32, i32
  }
  func.func @transform_6(%arg0: i32, %arg1: i32) -> (i32, i32) {
    %c0_i32 = arith.constant 0 : i32
    %c0_i32_0 = arith.constant 0 : i32
    %c0_i32_1 = arith.constant 0 : i32
    return %c0_i32, %c0_i32_0 : i32, i32
  }
  func.func @transform_7(%arg0: i32, %arg1: i32) -> (i32, i32) {
    %c0_i32 = arith.constant 0 : i32
    %c0_i32_0 = arith.constant 0 : i32
    %c0_i32_1 = arith.constant 0 : i32
    return %c0_i32, %c0_i32_0 : i32, i32
  }
  func.func @transform_8(%arg0: i32, %arg1: i32) -> (i32, i32) {
    %c0_i32 = arith.constant 0 : i32
    %c0_i32_0 = arith.constant 0 : i32
    return %arg1, %c0_i32 : i32, i32
  }
  func.func @transform_9(%arg0: i32, %arg1: i32) -> (i32, i32) {
    %c0_i32 = arith.constant 0 : i32
    %c0_i32_0 = arith.constant 0 : i32
    return %arg1, %c0_i32 : i32, i32
  }
}

</mosaic_0001>

<sc_bundles>
// kernel: kernel.11.cloned.1.call-start
scs
__scs_entry_jumppad:
0x0: {  	(pc) =	sbr.rel $0x88, $3  }
0x1: {  	(tag) =	ssettag $0x0;
	lr =	simm.s32 $0x1  }
0x2: {  	[smem:$0x3F95] =	sst lr;
	_ =	strace $0xD0000000  }
0x3: {  	_ = 	snop  }
0x4: {  	_ = 	snop  }
0x5: {  	_ = 	snop  }
0x6: {  	_ = 	snop  }
0x7: {  	_ = 	snop  }
__scs_overlays_trampoline_lowered:
0x8: {  	[smem:$0x3FA4] =	sst s0  }
0x9: {  	[smem:$0x3FA5] =	sst s1  }
0xa: {  	[smem:$0x3FA6] =	sst s2  }
0xb: {  	[smem:$0x3FA7] =	sst s3  }
0xc: {  	[smem:$0x3FA8] =	sst s4  }
0xd: {  	[smem:$0x3FA9] =	sst s5  }
0xe: {  	[smem:$0x3FAA] =	sst s6  }
0xf: {  	[smem:$0x3FAB] =	sst s7  }
0x10: {  	[smem:$0x3FAC] =	sst s8  }
0x11: {  	[smem:$0x3FAD] =	sst s9;
	s0 =	simm.s32 @!p0 $0x0  }
0x12: {  	s1 =	sld [smem:$0x3F93];
	s0 =	simm.s32 @p0 $0x1  }
0x13: {  	[smem:$0x3FAE] =	sst s0;
	s0 =	simm.s32 @!p1 $0x0  }
0x14: {  	s2 =	sld [smem:$0x3F92];
	s0 =	simm.s32 @p1 $0x1  }
0x15: {  	[smem:$0x3FAF] =	sst s0;
	s0 =	simm.s32 @!p2 $0x0  }
0x16: {  	s3 =	sld [smem:$0x3FDB];
	s0 =	simm.s32 @p2 $0x1  }
0x17: {  	s4 =	simm.s32 $0x1BF5;
	[smem:$0x3FB1] =	sst s0  }
0x18: {  	s0 =	sld [smem:$0x3F94];
	_ =	swait.ge [sflag:s4], $0x0  }
0x19: {  	s7 =	sld [smem:$0x3F95]  }
0x1a: {  	s8 =	sadd.s32 $0xFFFFE003, lr  }
0x1b: {  	s9 =	sadd.s32 $0xFFFFFEF7, lr;
	s5 =	simm.s32 $0xFFFFFFFF;
	p2 =	slt.u32 s8, $0xFFFFF086  }
0x1c: {  	p1 =	slt.u32 s9, $0xF7A;
	s5 =	simm.s32 @!p2 $0x0  }
0x1d: {  	s5 =	simm.s32 @p1 $0x1;
	p0 =	seq.s32 s7, s2  }
0x1e: {  	s7 =	smul.u32 @!p0 $0xF7A, s2;
	p2 =	seq.s32 @!p0 s5, $0x0  }
0x1f: {  	s9 =	smul.u32 $0xF7A, s1;
	s8 =	simm.s32 @!p0 $0x1BF5;
	p2 =	por !p2, p0  }
0x20: {  	[sflag:s8] =	ssyncset.s32 @!p0 $0xFFFFF086;
	s6 =	sadd.s32 @!p0 s3, s7;
	s7 =	simm.s32 @!p0 $0x108  }
0x21: {  	s3 =	sadd.s32 s3, s9;
	s6 =	sadd.s32 @!p0 $0x88, s6;
	s7 =	simm.s32 @p2 $0x1082  }
0x22: {  	[simem:s7], [sflag:s8] =	dma.local @!p0 [hbm:s6], $0xF7A  }
0x23: {  	s9 =	sor.u32 $0xD0000000, s2;
	s6 =	simm.s32 $0x108;
	_ =	swait.ge @!p0 [sflag:s8], $0x0  }
0x24: {  	s3 =	sadd.s32 $0x88, s3;
	s6 =	simm.s32 @!p1 $0x1082;
	[sflag:s4] =	ssyncset.s32 $0xFFFFF086  }
0x25: {  	[simem:s6], [sflag:s4] =	dma.local [hbm:s3], $0xF7A  }
0x26: {  	[smem:$0x3F95] =	sst s1;
	(tag) =	ssettag s2;
	_ =	strace s9  }
0x27: {  	s1 =	sld [smem:$0x3FA5]  }
0x28: {  	s2 =	sld [smem:$0x3FA6]  }
0x29: {  	s4 =	sld [smem:$0x3FA8]  }
0x2a: {  	p0 =	seq.s32 s5, $0x0;
	s5 =	sld [smem:$0x3FA9]  }
0x2b: {  	s6 =	sld [smem:$0x3FAA]  }
0x2c: {  	s7 =	sld [smem:$0x3FAB]  }
0x2d: {  	s3 =	simm.s32 $0x108;
	s8 =	sld [smem:$0x3FAC]  }
0x2e: {  	s3 =	simm.s32 @!p0 $0x1082;
	s9 =	sld [smem:$0x3FAD]  }
0x2f: {  	lr =	sadd.s32 s0, s3;
	s0 =	sld [smem:$0x3FA4]  }
0x30: {  	s3 =	sld [smem:$0x3FA7]  }
0x31: {  	[smem:$0x3FB0] =	sst s10  }
0x32: {  	s10 =	sld [smem:$0x3FAE];
	_ =	sdelay $0x3  }
0x33: {  	p0 =	seq.s32 s10, $0x1;
	s10 =	sld [smem:$0x3FB0];
	_ =	sdelay $0x3  }
0x34: {  	[smem:$0x3FB0] =	sst s10  }
0x35: {  	s10 =	sld [smem:$0x3FAF];
	_ =	sdelay $0x3  }
0x36: {  	p1 =	seq.s32 s10, $0x1;
	s10 =	sld [smem:$0x3FB0];
	_ =	sdelay $0x3  }
0x37: {  	[smem:$0x3FB0] =	sst s10  }
0x38: {  	s10 =	sld [smem:$0x3FB1]  }
0x39: {  	_ = 	snop;
	(pc) =	sbr.ind lr, $3  }
0x3a: {  	_ = 	snop  }
0x3b: {  	_ = 	snop  }
0x3c: {  	p2 =	seq.s32 s10, $0x1;
	s10 =	sld [smem:$0x3FB0]  }
0x3d: {  	_ =	shalt  }
0x3e: {  	_ =	shalt  }
0x3f: {  	_ =	shalt  }
0x40: {  	_ =	shalt  }
0x41: {  	_ =	shalt  }
0x42: {  	_ =	shalt  }
0x43: {  	_ =	shalt  }
0x44: {  	_ =	shalt  }
0x45: {  	_ =	shalt  }
0x46: {  	_ =	shalt  }
0x47: {  	_ =	shalt  }
0x48: {  	_ =	shalt  }
0x49: {  	_ =	shalt  }
0x4a: {  	_ =	shalt  }
0x4b: {  	_ =	shalt  }
0x4c: {  	_ =	shalt  }
0x4d: {  	_ =	shalt  }
0x4e: {  	_ =	shalt  }
0x4f: {  	_ =	shalt  }
0x50: {  	_ =	shalt  }
0x51: {  	_ =	shalt  }
0x52: {  	_ =	shalt  }
0x53: {  	_ =	shalt  }
0x54: {  	_ =	shalt  }
0x55: {  	_ =	shalt  }
0x56: {  	_ =	shalt  }
0x57: {  	_ =	shalt  }
0x58: {  	_ =	shalt  }
0x59: {  	_ =	shalt  }
0x5a: {  	_ =	shalt  }
0x5b: {  	_ =	shalt  }
0x5c: {  	_ =	shalt  }
0x5d: {  	_ =	shalt  }
0x5e: {  	_ =	shalt  }
0x5f: {  	_ =	shalt  }
0x60: {  	_ =	shalt  }
0x61: {  	_ =	shalt  }
0x62: {  	_ =	shalt  }
0x63: {  	_ =	shalt  }
0x64: {  	_ =	shalt  }
0x65: {  	_ =	shalt  }
0x66: {  	_ =	shalt  }
0x67: {  	_ =	shalt  }
0x68: {  	_ =	shalt  }
0x69: {  	_ =	shalt  }
0x6a: {  	_ =	shalt  }
0x6b: {  	_ =	shalt  }
0x6c: {  	_ =	shalt  }
0x6d: {  	_ =	shalt  }
0x6e: {  	_ =	shalt  }
0x6f: {  	_ =	shalt  }
0x70: {  	_ =	shalt  }
0x71: {  	_ =	shalt  }
0x72: {  	_ =	shalt  }
0x73: {  	_ =	shalt  }
0x74: {  	_ =	shalt  }
0x75: {  	_ =	shalt  }
0x76: {  	_ =	shalt  }
0x77: {  	_ =	shalt  }
0x78: {  	_ =	shalt  }
0x79: {  	_ =	shalt  }
0x7a: {  	_ =	shalt  }
0x7b: {  	_ =	shalt  }
0x7c: {  	_ =	shalt  }
0x7d: {  	_ =	shalt  }
0x7e: {  	_ =	shalt  }
0x7f: {  	_ =	shalt  }
0x80: {  	_ =	shalt  }
0x81: {  	_ =	shalt  }
0x82: {  	_ =	shalt  }
0x83: {  	_ =	shalt  }
0x84: {  	_ =	shalt  }
0x85: {  	_ =	shalt  }
0x86: {  	_ =	shalt  }
0x87: {  	_ =	shalt  }
.Lfunc_end0:
.L_simem_size_0:
called_computation.1_lowered:
.L_overlay_start_0:
0x88: {  	s2 =	sld [smem:$0x3FD9]  }
0x89: {  	s3 =	sld [smem:$0x3FFE];
	_ =	sdelay $0x1  }
0x8a: {  	s1 =	srdreg.scid  }
0x8b: {  	s0 =	sand.u32 $0x1, s1  }
0x8c: {  	s17 =	sshll.u32 s0, $0xA;
	s2 =	sadd.s32 s3, s2  }
0x8d: {  	s2 =	sadd.s32 s2, s17  }
0x8e: {  	[smem:$0x3FBC] =	sst s2  }
0x8f: {  	_ = 	snop  }
0x90: {  	s2 =	sld [smem:$0x3FD0];
	(tm) =	ssettm $0x1  }
0x91: {  	s18 =	sld [smem:$0x3FFB];
	_ =	sdelay $0x3  }
0x92: {  	_ =	strace s18  }
0x93: {  	s3 =	sld [smem:$0x3FFC];
	_ =	sdelay $0x3  }
0x94: {  	_ =	strace s3  }
0x95: {  	s3 =	sld [smem:$0x3FFD];
	_ =	sdelay $0x3  }
0x96: {  	_ =	strace s3  }
0x97: {  	_ =	strace $0x8FFFFFFF  }
0x98: {  	s19 =	sld [smem:$0x3FDB];
	_ =	sdelay $0x1  }
0x99: {  	s4 =	simm.s32 $_scs_section_size  }
0x9a: {  	s5 =	simm.s32 $_size__tile_overlayer_lowered;
	s6 =	simm.s32 $_tile_overlayer_lowered  }
0x9b: {  	s22 =	simm.s32 $0x1BFF;
	s21 =	sshll.u32 s6, $0x1;
	s3 =	sadd.s32 s4, s19  }
0x9c: {  	s7 =	simm.s32 $0x0;
	s20 =	sshll.u32 s5, $0x1;
	s5 =	sadd.s32 s21, s3  }
0x9d: {  	[timem:s7], [sflag:s22] =	dma.local [hbm:s5], s20  }
0x9e: {  	_ =	swait.ge [sflag:s22], s20  }
0x9f: {  	s4 =	ssub.s32 $0x0, s20;
	[sflag:s22] =	ssyncset.done $0x0  }
0xa0: {  	[sflag:s22] =	ssyncadd.s32 s4;
	_ =	sdelay $0x1  }
0xa1: {  	s23 =	simm.s32 $0x1B8B  }
0xa2: {  	_ =	swait.ge [sflag:s23], $0x1  }
0xa3: {  	[sflag:s23] =	ssyncset.done $0x0  }
0xa4: {  	s25 =	simm.s32 $0x1B8E;
	s24 =	sld [smem:$0x3FFE];
	[sflag:s23] =	ssyncadd.s32 $0xFFFFFFFF  }
0xa5: {  	s26 =	simm.s32 $execute0_lowered;
	[smem:$0x3FD2] =	sst s25  }
0xa6: {  	s5 =	sshll.u32 s26, $0x1;
	_ =	strace $0x80000046;
	[dreg:$0x1] =	wrdreg $0xFFFFFFFF  }
0xa7: {  	s28 =	simm.s32 $_size_execute0_lowered;
	s3 =	sadd.s32 s3, s5;
	[dreg:$0x0] =	wrdreg $0x0  }
0xa8: {  	s5 =	sshll.u32 s28, $0x1;
	[dreg:$0x2] =	wrdreg s3  }
0xa9: {  	[dreg:$0x3] =	wrdreg s5  }
0xaa: {  	[dreg:$0x4] =	wrdreg $0xC0  }
0xab: {  	_ =	task [dreg:s7], $0x5FFFF  }
0xac: {  	[dreg:$0x1] =	wrdreg $0xFFFFFFFF  }
0xad: {  	[dreg:$0x0] =	wrdreg $0x60  }
0xae: {  	[dreg:$0x2] =	wrdreg s24  }
0xaf: {  	[dreg:$0x3] =	wrdreg s2  }
0xb0: {  	[dreg:$0x4] =	wrdreg $0x7B000  }
0xb1: {  	[dreg:$0x5] =	wrdreg $0xA  }
0xb2: {  	_ =	task.clear_ibuf [dreg:s7], $0x6FFFF;
	_ =	strace $0x90000046  }
0xb3: {  	s29 =	simm.s32 $0xA;
	_ =	strace $0x80000048  }
0xb4: {  	_ =	swait.ge [sflag:s29], $0x1  }
0xb5: {  	[sflag:s29] =	ssyncadd.s32 $0xFFFFFFFF  }
0xb6: {  	_ =	strace $0x90000048  }
0xb7: {  	_ =	sfence  }
0xb8: {  	s30 =	sld [smem:$0x0];
	_ =	sdelay $0x2  }
0xb9: {  	s31 =	sshll.u32 s1, $0xD;
	s1 =	sshrl.u32 s1, $0x2  }
0xba: {  	s3 =	sand.u32 $0x4000, s31;
	s1 =	sadd.s32 s1, s30  }
0xbb: {  	s0 =	sor.u32 s3, s0;
	s1 =	sshll.u32 s1, $0x11  }
0xbc: {  	s0 =	sor.u32 s1, s0  }
0xbd: {  	s0 =	sadd.s32 $0x8F2B, s0  }
0xbe: {  	[sflag:s0] =	ssyncadd.remote.s32 $0x1  }
0xbf: {  	_ =	sfence.sel $0xFFFF  }
0xc0: {  	[dreg:$0x0] =	wrdreg $0xFFFFFFFF;
	(pc) =	sbr.abs _section_cstart, $3  }
0xc1: {  	[dreg:$0x1] =	wrdreg $0xFFFFFFFF  }
0xc2: {  	_ =	task.clear_ibuf [dreg:s7], $0x2FFFF;
	_ =	strace $0x9FFFFFFF  }
0xc3: {  	(tm) =	ssettm $0x7FFFFFFF  }
tec
execute0_lowered:
.L_overlay_start_1:
0x0: {  	(tag) =	ssettag $0x1  }
0x1: {  	s0 =	rddreg [dreg:$0x0]  }
0x2: {  	s1 =	rddreg [dreg:$0x1]  }
0x3: {  	s2 =	rddreg [dreg:$0x2]  }
0x4: {  	s3 =	simm.s32 $0x0;
	s13 =	stileid.u32;
	s4 =	srdreg.scid  }
0x5: {  	s17 =	simm.s32 $0x80;
	s18 =	simm.s32 $0x50;
	s19 =	simm.s32 $0x100  }
0x6: {  	s20 =	simm.s32 $0x2900;
	s21 =	simm.s32 $0x2980;
	s5 =	smul.u32 $0x2800, s13  }
0x7: {  	s22 =	simm.s32 $0x2A00;
	s29 =	simm.s32 $0x3;
	s8 =	smul.u32 $0x50000, s13  }
0x8: {  	s30 =	simm.s32 $0x0;
	[smem:$0x7FF] =	sst s3;
	s11 =	smul.u32 $0x2710, s13  }
0x9: {  	s7 =	sand.u32 $0x1, s4;
	s4 =	sadd.s32 $0x55000, s0;
	s16 =	smul.u32 $0x4E2, s13  }
0xa: {  	s14 =	sadd.s32 $0x1E00, s0;
	s25 =	sshll.u32 s13, $0x6;
	s6 =	smul.u32 $0x28000, s7  }
0xb: {  	_ =	strace $0x80000047;
	s23 =	ssub.s32 $0x2, s7;
	s28 =	smul.u32 $0x2710, s7  }
0xc: {  	s9 =	sadd.s32 s5, s0;
	s10 =	sshrl.u32 s23, $0x1;
	s8 =	sshrl.u32 s8, $0x2  }
0xd: {  	s26 =	sshrl.u32 s11, $0x3;
	s13 =	sadd.s32 s16, s1;
	s5 =	sadd.s32 s5, s6  }
0xe: {  	s12 =	ssub.s32 s23, s10;
	s15 =	sadd.s32 s8, s2;
	s24 =	sadd.s32 $0xA3200, s9  }
0xf: {  	s6 =	sor.u32 $0x1C04, s25;
	s7 =	sadd.s32 s14, s26;
	s8 =	sadd.s32 s1, s26  }
0x10: {  	s31 =	sadd.s32 $0xA, s26;
	s23 =	simm.s32 $0x5200;
	s25 =	simm.s32 $0x5300  }
0x11: {  	s26 =	simm.s32 $0x1;
	v0 =	vmov s28;
	s28 =	simm.s32 $0x2;
	s0 =	sadd.s32 s5, s0  }
0x12: {  	[dreg:$0x4] =	wrdreg s24;
	s9 =	sadd.s32 s14, s31;
	s10 =	sadd.s32 s1, s31  }
0x13: {  	s12 =	smax.u32 s12, $0x1;
	s14 =	sadd.s32 s16, s14;
	s15 =	sshrl.u32 s15, $0x3  }
0x14: {  	s16 =	simm.s32 $0x4;
	s24 =	simm.s32 $0x5280;
	s11 =	sadd.s32 $0xCB200, s0  }
.LBB2_1:
0x15: {  	s0 =	rddreg [dreg:$0x4]  }
0x16: {  	[spmem:s15], [sflag:s6] =	dma.local [hbm:s0], $0x2800  }
0x17: {  	_ =	swait.ge [sflag:s16], $0x2800  }
0x18: {  	[sflag:s16] =	ssyncset.done $0x0  }
0x19: {  	[sflag:s16] =	ssyncadd.s32 $0xFFFFD800  }
0x1a: {  	[bflag:$0x0] =	sbarrier.arrive $0xFFFF  }
0x1b: {  	[tilespmem:s3], [sflag:$0x4] =	stream.linear.gather [hbm4b:s7+s3], $0x50, $0x38;
	[tilespmem:$0x1BB00] =	vst v63  }
0x1c: {  	_ =	swait.ge [sflag:s16], $0x50  }
0x1d: {  	[sflag:s16] =	ssyncset.done $0x0  }
0x1e: {  	[sflag:s16] =	ssyncadd.s32 $0xFFFFFFB0  }
0x1f: {  	[tilespmem:s17], [sflag:$0x4] =	stream.linear.gather [hbm4b:s8+s3], $0x50, $0x38;
	[tilespmem:$0x1BB00] =	vst v63  }
0x20: {  	_ =	swait.ge [sflag:s16], $0x50  }
0x21: {  	[sflag:s16] =	ssyncset.done $0x0  }
0x22: {  	[sflag:s16] =	ssyncadd.s32 $0xFFFFFFB0  }
0x23: {  	v1 =	vld [tilespmem:$0x0]  }
0x24: {  	v2 =	vld [tilespmem:$0x10]  }
0x25: {  	v3 =	vld [tilespmem:$0x20]  }
0x26: {  	v4 =	vld [tilespmem:$0x30]  }
0x27: {  	v5 =	vld [tilespmem:$0x40]  }
0x28: {  	v1 =	vadd.s32 v0, v1  }
0x29: {  	[tilespmem:$0x0] =	vst v1;
	v1 =	vadd.s32 v0, v2  }
0x2a: {  	[tilespmem:$0x10] =	vst v1;
	v1 =	vadd.s32 v0, v3  }
0x2b: {  	[tilespmem:$0x20] =	vst v1;
	v1 =	vadd.s32 v0, v4  }
0x2c: {  	[tilespmem:$0x30] =	vst v1;
	v1 =	vadd.s32 v0, v5  }
0x2d: {  	[tilespmem:$0x40] =	vst v1  }
0x2e: {  	[tilespmem:s19], [sflag:$0x1] =	stream.indirect.gather [hbm4b:s4+s18], $0x80, s3, s18, $0xb8;
	[tilespmem:$0x1BB00] =	vst v63  }
0x2f: {  	_ = 	snop  }
0x30: {  	[tilespmem:s20], [sflag:$0x4] =	stream.linear.gather [hbm4b:s9+s3], $0x50, $0x38;
	[tilespmem:$0x1BB00] =	vst v63  }
0x31: {  	_ =	swait.ge [sflag:s16], $0x50  }
0x32: {  	[sflag:s16] =	ssyncset.done $0x0  }
0x33: {  	[sflag:s16] =	ssyncadd.s32 $0xFFFFFFB0  }
0x34: {  	[tilespmem:s21], [sflag:$0x4] =	stream.linear.gather [hbm4b:s10+s3], $0x50, $0x38;
	[tilespmem:$0x1BB00] =	vst v63  }
0x35: {  	_ =	swait.ge [sflag:s16], $0x50  }
0x36: {  	[sflag:s16] =	ssyncset.done $0x0  }
0x37: {  	[sflag:s16] =	ssyncadd.s32 $0xFFFFFFB0  }
0x38: {  	v1 =	vld [tilespmem:$0x2900]  }
0x39: {  	v2 =	vld [tilespmem:$0x2910]  }
0x3a: {  	v3 =	vld [tilespmem:$0x2920]  }
0x3b: {  	v58 =	vld [tilespmem:$0x2930]  }
0x3c: {  	v59 =	vld [tilespmem:$0x2940]  }
0x3d: {  	v1 =	vadd.s32 v0, v1  }
0x3e: {  	[tilespmem:$0x2900] =	vst v1;
	v1 =	vadd.s32 v0, v2  }
0x3f: {  	[tilespmem:$0x2910] =	vst v1;
	v1 =	vadd.s32 v0, v3  }
0x40: {  	[tilespmem:$0x2920] =	vst v1;
	v1 =	vadd.s32 v0, v58  }
0x41: {  	[tilespmem:$0x2930] =	vst v1;
	v1 =	vadd.s32 v0, v59  }
0x42: {  	s0 =	sadd.s32 $0x0, s14;
	[tilespmem:$0x2940] =	vst v1  }
0x43: {  	[tilespmem:s22], [sflag:$0x2] =	stream.indirect.gather [hbm4b:s4+s18], $0x80, s20, s18, $0xb8;
	[tilespmem:$0x1BB00] =	vst v63  }
0x44: {  	s1 =	sadd.s32 $0x14, s0  }
0x45: {  	[tilespmem:s23], [sflag:$0x4] =	stream.linear.gather [hbm4b:s1+s3], $0x50, $0x38;
	[tilespmem:$0x1BB00] =	vst v63  }
0x46: {  	_ =	swait.ge [sflag:s16], $0x50  }
0x47: {  	s5 =	sadd.s32 $0x0, s13;
	[sflag:s16] =	ssyncset.done $0x0  }
0x48: {  	s31 =	sadd.s32 $0x14, s5;
	[sflag:s16] =	ssyncadd.s32 $0xFFFFFFB0  }
0x49: {  	[tilespmem:s24], [sflag:$0x4] =	stream.linear.gather [hbm4b:s31+s3], $0x50, $0x38;
	[tilespmem:$0x1BB00] =	vst v63  }
0x4a: {  	_ =	swait.ge [sflag:s16], $0x50  }
0x4b: {  	[sflag:s16] =	ssyncset.done $0x0  }
0x4c: {  	[sflag:s16] =	ssyncadd.s32 $0xFFFFFFB0  }
0x4d: {  	v1 =	vld [tilespmem:$0x5230]  }
0x4e: {  	v2 =	vld [tilespmem:$0x5240]  }
0x4f: {  	v3 =	vld [tilespmem:$0x5220]  }
0x50: {  	v60 =	vld [tilespmem:$0x5210]  }
0x51: {  	v61 =	vld [tilespmem:$0x5200]  }
0x52: {  	v1 =	vadd.s32 v0, v1  }
0x53: {  	[tilespmem:$0x5230] =	vst v1;
	v1 =	vadd.s32 v0, v2  }
0x54: {  	v2 =	vadd.s32 v0, v3;
	[tilespmem:$0x5240] =	vst v1  }
0x55: {  	v1 =	vadd.s32 v0, v60;
	[tilespmem:$0x5220] =	vst v2  }
0x56: {  	v2 =	vadd.s32 v0, v61;
	[tilespmem:$0x5210] =	vst v1  }
0x57: {  	[tilespmem:$0x5200] =	vst v2  }
0x58: {  	[tilespmem:s25], [sflag:$0x3] =	stream.indirect.gather [hbm4b:s4+s18], $0x80, s23, s18, $0xb8;
	[tilespmem:$0x1BB00] =	vst v63  }
0x59: {  	_ =	swait.ge [sflag:s26], $0x2800  }
0x5a: {  	[sflag:s26] =	ssyncset.done $0x0  }
0x5b: {  	[sflag:s26] =	ssyncadd.s32 $0xFFFFD800  }
0x5c: {  	[spmem:s2] =	stream.indirect.scatter.add.f32 [tilespmem:s19], [sflag:$0x4], $0x80, s17, s18, $0xb8;
	[tilespmem:$0x1BB00] =	vst v63  }
0x5d: {  	_ =	swait.ge [sflag:s16], $0x2800  }
0x5e: {  	[sflag:s16] =	ssyncset.done $0x0  }
0x5f: {  	s31 =	sadd.s32 $0x1E, s0;
	[sflag:s16] =	ssyncadd.s32 $0xFFFFD800  }
0x60: {  	[tilespmem:s3], [sflag:$0x4] =	stream.linear.gather [hbm4b:s31+s3], $0x50, $0x38;
	[tilespmem:$0x1BB00] =	vst v63  }
0x61: {  	_ =	swait.ge [sflag:s16], $0x50  }
0x62: {  	[sflag:s16] =	ssyncset.done $0x0  }
0x63: {  	s31 =	sadd.s32 $0x1E, s5;
	[sflag:s16] =	ssyncadd.s32 $0xFFFFFFB0  }
0x64: {  	[tilespmem:s17], [sflag:$0x4] =	stream.linear.gather [hbm4b:s31+s3], $0x50, $0x38;
	[tilespmem:$0x1BB00] =	vst v63  }
0x65: {  	_ =	swait.ge [sflag:s16], $0x50  }
0x66: {  	[sflag:s16] =	ssyncset.done $0x0  }
0x67: {  	[sflag:s16] =	ssyncadd.s32 $0xFFFFFFB0  }
0x68: {  	v1 =	vld [tilespmem:$0x0]  }
0x69: {  	v2 =	vld [tilespmem:$0x10]  }
0x6a: {  	v63 =	vld [tilespmem:$0x20]  }
0x6b: {  	v3 =	vld [tilespmem:$0x30]  }
0x6c: {  	v62 =	vld [tilespmem:$0x40]  }
0x6d: {  	v1 =	vadd.s32 v0, v1  }
0x6e: {  	[tilespmem:$0x0] =	vst v1;
	v1 =	vadd.s32 v0, v2  }
0x6f: {  	v2 =	vadd.s32 v0, v63;
	[tilespmem:$0x10] =	vst v1  }
0x70: {  	v1 =	vadd.s32 v0, v3;
	[tilespmem:$0x20] =	vst v2  }
0x71: {  	[tilespmem:$0x30] =	vst v1;
	v1 =	vadd.s32 v0, v62  }
0x72: {  	[tilespmem:$0x40] =	vst v1  }
0x73: {  	[tilespmem:s19], [sflag:$0x1] =	stream.indirect.gather [hbm4b:s4+s18], $0x80, s3, s18, $0xb8;
	[tilespmem:$0x1BB00] =	vst v63  }
0x74: {  	_ =	swait.ge [sflag:s28], $0x2800  }
0x75: {  	[sflag:s28] =	ssyncset.done $0x0  }
0x76: {  	[sflag:s28] =	ssyncadd.s32 $0xFFFFD800  }
0x77: {  	[spmem:s2] =	stream.indirect.scatter.add.f32 [tilespmem:s22], [sflag:$0x4], $0x80, s21, s18, $0xb8;
	[tilespmem:$0x1BB00] =	vst v63  }
0x78: {  	_ =	swait.ge [sflag:s16], $0x2800  }
0x79: {  	[sflag:s16] =	ssyncset.done $0x0  }
0x7a: {  	s0 =	sadd.s32 $0x28, s0;
	[sflag:s16] =	ssyncadd.s32 $0xFFFFD800  }
0x7b: {  	[tilespmem:s20], [sflag:$0x4] =	stream.linear.gather [hbm4b:s0+s3], $0x50, $0x38;
	[tilespmem:$0x1BB00] =	vst v63  }
0x7c: {  	_ =	swait.ge [sflag:s16], $0x50  }
0x7d: {  	[sflag:s16] =	ssyncset.done $0x0  }
0x7e: {  	s5 =	sadd.s32 $0x28, s5;
	[sflag:s16] =	ssyncadd.s32 $0xFFFFFFB0  }
0x7f: {  	[tilespmem:s21], [sflag:$0x4] =	stream.linear.gather [hbm4b:s5+s3], $0x50, $0x38;
	[tilespmem:$0x1BB00] =	vst v63  }
0x80: {  	_ =	swait.ge [sflag:s16], $0x50  }
0x81: {  	[sflag:s16] =	ssyncset.done $0x0  }
0x82: {  	[sflag:s16] =	ssyncadd.s32 $0xFFFFFFB0  }
0x83: {  	s31 =	simm.s32 $0x1E;
	v1 =	vld [tilespmem:$0x2920]  }
.LBB2_2:
0x84: {  	p0 =	sne.s32 s31, $0x4B0;
	v2 =	vld [tilespmem:$0x2910];
	s1 =	smov.u32 s31;
	s31 =	sadd.s32 $0x1E, s31  }
0x85: {  	v3 =	vld [tilespmem:$0x2930]  }
0x86: {  	v4 =	vld [tilespmem:$0x2940]  }
0x87: {  	v5 =	vld [tilespmem:$0x2900]  }
0x88: {  	v1 =	vadd.s32 v0, v1  }
0x89: {  	v2 =	vadd.s32 v0, v2;
	[tilespmem:$0x2920] =	vst v1  }
0x8a: {  	[tilespmem:$0x2910] =	vst v2;
	v1 =	vadd.s32 v0, v3  }
0x8b: {  	[tilespmem:$0x2930] =	vst v1;
	v1 =	vadd.s32 v0, v4  }
0x8c: {  	v2 =	vadd.s32 v0, v5;
	[tilespmem:$0x2940] =	vst v1  }
0x8d: {  	[tilespmem:$0x2900] =	vst v2  }
0x8e: {  	[tilespmem:s22], [sflag:$0x2] =	stream.indirect.gather [hbm4b:s4+s18], $0x80, s20, s18, $0xb8;
	[tilespmem:$0x1BB00] =	vst v63  }
0x8f: {  	_ =	swait.ge [sflag:s29], $0x2800  }
0x90: {  	[sflag:s29] =	ssyncset.done $0x0  }
0x91: {  	[sflag:s29] =	ssyncadd.s32 $0xFFFFD800  }
0x92: {  	[spmem:s2] =	stream.indirect.scatter.add.f32 [tilespmem:s25], [sflag:$0x4], $0x80, s24, s18, $0xb8;
	[tilespmem:$0x1BB00] =	vst v63  }
0x93: {  	_ =	swait.ge [sflag:s16], $0x2800  }
0x94: {  	s0 =	sadd.s32 s1, s14;
	[sflag:s16] =	ssyncset.done $0x0  }
0x95: {  	s5 =	sadd.s32 $0x14, s0;
	[sflag:s16] =	ssyncadd.s32 $0xFFFFD800  }
0x96: {  	[tilespmem:s23], [sflag:$0x4] =	stream.linear.gather [hbm4b:s5+s3], $0x50, $0x38;
	[tilespmem:$0x1BB00] =	vst v63  }
0x97: {  	_ =	swait.ge [sflag:s16], $0x50  }
0x98: {  	s1 =	sadd.s32 s1, s13;
	[sflag:s16] =	ssyncset.done $0x0  }
0x99: {  	s5 =	sadd.s32 $0x14, s1;
	[sflag:s16] =	ssyncadd.s32 $0xFFFFFFB0  }
0x9a: {  	[tilespmem:s24], [sflag:$0x4] =	stream.linear.gather [hbm4b:s5+s3], $0x50, $0x38;
	[tilespmem:$0x1BB00] =	vst v63  }
0x9b: {  	_ =	swait.ge [sflag:s16], $0x50  }
0x9c: {  	[sflag:s16] =	ssyncset.done $0x0  }
0x9d: {  	[sflag:s16] =	ssyncadd.s32 $0xFFFFFFB0  }
0x9e: {  	v1 =	vld [tilespmem:$0x5230]  }
0x9f: {  	v2 =	vld [tilespmem:$0x5240]  }
0xa0: {  	v3 =	vld [tilespmem:$0x5220]  }
0xa1: {  	v4 =	vld [tilespmem:$0x5210]  }
0xa2: {  	v5 =	vld [tilespmem:$0x5200]  }
0xa3: {  	v1 =	vadd.s32 v0, v1  }
0xa4: {  	[tilespmem:$0x5230] =	vst v1;
	v1 =	vadd.s32 v0, v2  }
0xa5: {  	v2 =	vadd.s32 v0, v3;
	[tilespmem:$0x5240] =	vst v1  }
0xa6: {  	v1 =	vadd.s32 v0, v4;
	[tilespmem:$0x5220] =	vst v2  }
0xa7: {  	v2 =	vadd.s32 v0, v5;
	[tilespmem:$0x5210] =	vst v1  }
0xa8: {  	[tilespmem:$0x5200] =	vst v2  }
0xa9: {  	[tilespmem:s25], [sflag:$0x3] =	stream.indirect.gather [hbm4b:s4+s18], $0x80, s23, s18, $0xb8;
	[tilespmem:$0x1BB00] =	vst v63  }
0xaa: {  	_ =	swait.ge [sflag:s26], $0x2800  }
0xab: {  	[sflag:s26] =	ssyncset.done $0x0  }
0xac: {  	[sflag:s26] =	ssyncadd.s32 $0xFFFFD800  }
0xad: {  	[spmem:s2] =	stream.indirect.scatter.add.f32 [tilespmem:s19], [sflag:$0x4], $0x80, s17, s18, $0xb8;
	[tilespmem:$0x1BB00] =	vst v63  }
0xae: {  	_ =	swait.ge [sflag:s16], $0x2800  }
0xaf: {  	[sflag:s16] =	ssyncset.done $0x0  }
0xb0: {  	s5 =	sadd.s32 $0x1E, s0;
	[sflag:s16] =	ssyncadd.s32 $0xFFFFD800  }
0xb1: {  	[tilespmem:s3], [sflag:$0x4] =	stream.linear.gather [hbm4b:s5+s3], $0x50, $0x38;
	[tilespmem:$0x1BB00] =	vst v63  }
0xb2: {  	_ =	swait.ge [sflag:s16], $0x50  }
0xb3: {  	[sflag:s16] =	ssyncset.done $0x0  }
0xb4: {  	s5 =	sadd.s32 $0x1E, s1;
	[sflag:s16] =	ssyncadd.s32 $0xFFFFFFB0  }
0xb5: {  	[tilespmem:s17], [sflag:$0x4] =	stream.linear.gather [hbm4b:s5+s3], $0x50, $0x38;
	[tilespmem:$0x1BB00] =	vst v63  }
0xb6: {  	_ =	swait.ge [sflag:s16], $0x50  }
0xb7: {  	[sflag:s16] =	ssyncset.done $0x0  }
0xb8: {  	[sflag:s16] =	ssyncadd.s32 $0xFFFFFFB0  }
0xb9: {  	v1 =	vld [tilespmem:$0x0]  }
0xba: {  	v2 =	vld [tilespmem:$0x10]  }
0xbb: {  	v3 =	vld [tilespmem:$0x30]  }
0xbc: {  	v4 =	vld [tilespmem:$0x40]  }
0xbd: {  	v5 =	vld [tilespmem:$0x20]  }
0xbe: {  	v1 =	vadd.s32 v0, v1  }
0xbf: {  	[tilespmem:$0x0] =	vst v1;
	v1 =	vadd.s32 v0, v2  }
0xc0: {  	[tilespmem:$0x10] =	vst v1;
	v1 =	vadd.s32 v0, v3  }
0xc1: {  	[tilespmem:$0x30] =	vst v1;
	v1 =	vadd.s32 v0, v4  }
0xc2: {  	v2 =	vadd.s32 v0, v5;
	[tilespmem:$0x40] =	vst v1  }
0xc3: {  	[tilespmem:$0x20] =	vst v2  }
0xc4: {  	[tilespmem:s19], [sflag:$0x1] =	stream.indirect.gather [hbm4b:s4+s18], $0x80, s3, s18, $0xb8;
	[tilespmem:$0x1BB00] =	vst v63  }
0xc5: {  	_ =	swait.ge [sflag:s28], $0x2800  }
0xc6: {  	[sflag:s28] =	ssyncset.done $0x0  }
0xc7: {  	[sflag:s28] =	ssyncadd.s32 $0xFFFFD800  }
0xc8: {  	[spmem:s2] =	stream.indirect.scatter.add.f32 [tilespmem:s22], [sflag:$0x4], $0x80, s21, s18, $0xb8;
	[tilespmem:$0x1BB00] =	vst v63  }
0xc9: {  	_ =	swait.ge [sflag:s16], $0x2800  }
0xca: {  	[sflag:s16] =	ssyncset.done $0x0  }
0xcb: {  	s0 =	sadd.s32 $0x28, s0;
	[sflag:s16] =	ssyncadd.s32 $0xFFFFD800  }
0xcc: {  	[tilespmem:s20], [sflag:$0x4] =	stream.linear.gather [hbm4b:s0+s3], $0x50, $0x38;
	[tilespmem:$0x1BB00] =	vst v63  }
0xcd: {  	_ =	swait.ge [sflag:s16], $0x50  }
0xce: {  	[sflag:s16] =	ssyncset.done $0x0  }
0xcf: {  	s0 =	sadd.s32 $0x28, s1;
	[sflag:s16] =	ssyncadd.s32 $0xFFFFFFB0  }
0xd0: {  	[tilespmem:s21], [sflag:$0x4] =	stream.linear.gather [hbm4b:s0+s3], $0x50, $0x38;
	[tilespmem:$0x1BB00] =	vst v63  }
.Ltmp0:
0xd1: {  	_ = 	snop;
	(pc) =	sbr.rel @p0 .LBB2_2-.Ltmp0, $4  }
0xd2: {  	_ =	swait.ge [sflag:s16], $0x50  }
0xd3: {  	[sflag:s16] =	ssyncset.done $0x0  }
0xd4: {  	[sflag:s16] =	ssyncadd.s32 $0xFFFFFFB0  }
0xd5: {  	v1 =	vld [tilespmem:$0x2920]  }
0xd6: {  	v2 =	vld [tilespmem:$0x2910]  }
0xd7: {  	v3 =	vld [tilespmem:$0x2930]  }
0xd8: {  	v4 =	vld [tilespmem:$0x2940]  }
0xd9: {  	v5 =	vld [tilespmem:$0x2900]  }
0xda: {  	v1 =	vadd.s32 v0, v1  }
0xdb: {  	v2 =	vadd.s32 v0, v2;
	[tilespmem:$0x2920] =	vst v1  }
0xdc: {  	v1 =	vadd.s32 v0, v3;
	[tilespmem:$0x2910] =	vst v2  }
0xdd: {  	[tilespmem:$0x2930] =	vst v1;
	v1 =	vadd.s32 v0, v4  }
0xde: {  	v2 =	vadd.s32 v0, v5;
	[tilespmem:$0x2940] =	vst v1  }
0xdf: {  	[tilespmem:$0x2900] =	vst v2  }
0xe0: {  	[tilespmem:s22], [sflag:$0x2] =	stream.indirect.gather [hbm4b:s4+s18], $0x80, s20, s18, $0xb8;
	[tilespmem:$0x1BB00] =	vst v63  }
0xe1: {  	_ =	swait.ge [sflag:s29], $0x2800  }
0xe2: {  	[sflag:s29] =	ssyncset.done $0x0  }
0xe3: {  	[sflag:s29] =	ssyncadd.s32 $0xFFFFD800  }
0xe4: {  	[spmem:s2] =	stream.indirect.scatter.add.f32 [tilespmem:s25], [sflag:$0x4], $0x80, s24, s18, $0xb8;
	[tilespmem:$0x1BB00] =	vst v63  }
0xe5: {  	_ =	swait.ge [sflag:s16], $0x2800  }
0xe6: {  	[sflag:s16] =	ssyncset.done $0x0  }
0xe7: {  	[sflag:s16] =	ssyncadd.s32 $0xFFFFD800  }
0xe8: {  	_ =	swait.ge [sflag:s26], $0x2800  }
0xe9: {  	[sflag:s26] =	ssyncset.done $0x0  }
0xea: {  	[sflag:s26] =	ssyncadd.s32 $0xFFFFD800  }
0xeb: {  	[spmem:s2] =	stream.indirect.scatter.add.f32 [tilespmem:s19], [sflag:$0x4], $0x80, s17, s18, $0xb8;
	[tilespmem:$0x1BB00] =	vst v63  }
0xec: {  	_ =	swait.ge [sflag:s16], $0x2800  }
0xed: {  	[sflag:s16] =	ssyncset.done $0x0  }
0xee: {  	[sflag:s16] =	ssyncadd.s32 $0xFFFFD800  }
0xef: {  	_ =	swait.ge [sflag:s28], $0x2800  }
0xf0: {  	[sflag:s28] =	ssyncset.done $0x0  }
0xf1: {  	[sflag:s28] =	ssyncadd.s32 $0xFFFFD800  }
0xf2: {  	[spmem:s2] =	stream.indirect.scatter.add.f32 [tilespmem:s22], [sflag:$0x4], $0x80, s21, s18, $0xb8;
	[tilespmem:$0x1BB00] =	vst v63  }
0xf3: {  	_ =	swait.ge [sflag:s16], $0x2800  }
0xf4: {  	s30 =	sadd.s32 $0x1, s30;
	[sflag:s16] =	ssyncset.done $0x0  }
0xf5: {  	p0 =	sne.s32 s30, s12;
	[sflag:s16] =	ssyncadd.s32 $0xFFFFD800  }
.Ltmp1:
0xf6: {  	[bflag:$0x0] =	sbarrier.arrive $0xFFFF;
	(pc) =	sbr.rel @p0 .LBB2_1-.Ltmp1, $4  }
0xf7: {  	[hbm:s11], [sflag:s6] =	dma.local [spmem:s15], $0x2800  }
0xf8: {  	_ =	swait.ge [sflag:s16], $0x2800  }
0xf9: {  	[sflag:s16] =	ssyncset.done $0x0  }
0xfa: {  	[sflag:s16] =	ssyncadd.s32 $0xFFFFD800  }
0xfb: {  	_ =	sfence.sel $0x180000  }
0xfc: {  	[bflag:$0x0] =	sbarrier.arrive $0xFFFF  }
0xfd: {  	_ =	strace $0x90000047  }
0xfe: {  	s0 =	stileid.u32;
	[bflag:$0x2] =	sbarrier.arrive $0xFFFF  }
0xff: {  	p0 =	sne.s32 s0, $0x0;
	s0 =	rddreg [dreg:$0x3]  }
0x100: {  	s0 =	sadd.s32 @!p0 $0x100000, s0  }
0x101: {  	[sflag:s0] =	ssyncadd.tile.s32 @!p0 $0x1;
	_ =	shalt  }
.Lfunc_end2:
_tile_overlayer_lowered:
.L_overlay_start_2:
0x102: {  	(tag) =	ssettag $0x2  }
0x103: {  	s0 =	rddreg [dreg:$0x0];
	s2 =	stileid.u32  }
0x104: {  	s1 =	rddreg [dreg:$0x1];
	p0 =	sne.s32 s2, $0x0  }
0x105: {  	s3 =	rddreg [dreg:$0x2];
	[bflag:$0x3] =	sbarrier.arrive $0xFFFF;
	s2 =	simm.s32 @!p0 $0x1C04  }
0x106: {  	[timem:s3], [sflag:s2] =	dma.local @!p0 [hbm:s0], s1  }
0x107: {  	s0 =	simm.s32 @!p0 $0x4  }
0x108: {  	_ =	swait.ge @!p0 [sflag:s0], s1  }
0x109: {  	s1 =	ssub.s32 @!p0 $0x0, s1;
	[sflag:s0] =	ssyncset.done @!p0 $0x0  }
0x10a: {  	[sflag:s0] =	ssyncadd.s32 @!p0 s1  }
0x10b: {  	[bflag:$0x3] =	sbarrier.arrive $0xFFFF  }
0x10c: {  	_ =	shalt  }

// kernel: kernel.14.cloned.1.call-start
scs
__scs_entry_jumppad:
0x0: {  	(pc) =	sbr.rel $0x88, $3  }
0x1: {  	(tag) =	ssettag $0x0;
	lr =	simm.s32 $0x1  }
0x2: {  	[smem:$0x3F95] =	sst lr;
	_ =	strace $0xD0000000  }
0x3: {  	_ = 	snop  }
0x4: {  	_ = 	snop  }
0x5: {  	_ = 	snop  }
0x6: {  	_ = 	snop  }
0x7: {  	_ = 	snop  }
__scs_overlays_trampoline_lowered:
0x8: {  	[smem:$0x3FA4] =	sst s0  }
0x9: {  	[smem:$0x3FA5] =	sst s1  }
0xa: {  	[smem:$0x3FA6] =	sst s2  }
0xb: {  	[smem:$0x3FA7] =	sst s3  }
0xc: {  	[smem:$0x3FA8] =	sst s4  }
0xd: {  	[smem:$0x3FA9] =	sst s5  }
0xe: {  	[smem:$0x3FAA] =	sst s6  }
0xf: {  	[smem:$0x3FAB] =	sst s7  }
0x10: {  	[smem:$0x3FAC] =	sst s8  }
0x11: {  	[smem:$0x3FAD] =	sst s9;
	s0 =	simm.s32 @!p0 $0x0  }
0x12: {  	s1 =	sld [smem:$0x3F93];
	s0 =	simm.s32 @p0 $0x1  }
0x13: {  	[smem:$0x3FAE] =	sst s0;
	s0 =	simm.s32 @!p1 $0x0  }
0x14: {  	s2 =	sld [smem:$0x3F92];
	s0 =	simm.s32 @p1 $0x1  }
0x15: {  	[smem:$0x3FAF] =	sst s0;
	s0 =	simm.s32 @!p2 $0x0  }
0x16: {  	s3 =	sld [smem:$0x3FDB];
	s0 =	simm.s32 @p2 $0x1  }
0x17: {  	s4 =	simm.s32 $0x1BF5;
	[smem:$0x3FB1] =	sst s0  }
0x18: {  	s0 =	sld [smem:$0x3F94];
	_ =	swait.ge [sflag:s4], $0x0  }
0x19: {  	s7 =	sld [smem:$0x3F95]  }
0x1a: {  	s8 =	sadd.s32 $0xFFFFE003, lr  }
0x1b: {  	s9 =	sadd.s32 $0xFFFFFEF7, lr;
	s5 =	simm.s32 $0xFFFFFFFF;
	p2 =	slt.u32 s8, $0xFFFFF086  }
0x1c: {  	p1 =	slt.u32 s9, $0xF7A;
	s5 =	simm.s32 @!p2 $0x0  }
0x1d: {  	s5 =	simm.s32 @p1 $0x1;
	p0 =	seq.s32 s7, s2  }
0x1e: {  	s7 =	smul.u32 @!p0 $0xF7A, s2;
	p2 =	seq.s32 @!p0 s5, $0x0  }
0x1f: {  	s9 =	smul.u32 $0xF7A, s1;
	s8 =	simm.s32 @!p0 $0x1BF5;
	p2 =	por !p2, p0  }
0x20: {  	[sflag:s8] =	ssyncset.s32 @!p0 $0xFFFFF086;
	s6 =	sadd.s32 @!p0 s3, s7;
	s7 =	simm.s32 @!p0 $0x108  }
0x21: {  	s3 =	sadd.s32 s3, s9;
	s6 =	sadd.s32 @!p0 $0x88, s6;
	s7 =	simm.s32 @p2 $0x1082  }
0x22: {  	[simem:s7], [sflag:s8] =	dma.local @!p0 [hbm:s6], $0xF7A  }
0x23: {  	s9 =	sor.u32 $0xD0000000, s2;
	s6 =	simm.s32 $0x108;
	_ =	swait.ge @!p0 [sflag:s8], $0x0  }
0x24: {  	s3 =	sadd.s32 $0x88, s3;
	s6 =	simm.s32 @!p1 $0x1082;
	[sflag:s4] =	ssyncset.s32 $0xFFFFF086  }
0x25: {  	[simem:s6], [sflag:s4] =	dma.local [hbm:s3], $0xF7A  }
0x26: {  	[smem:$0x3F95] =	sst s1;
	(tag) =	ssettag s2;
	_ =	strace s9  }
0x27: {  	s1 =	sld [smem:$0x3FA5]  }
0x28: {  	s2 =	sld [smem:$0x3FA6]  }
0x29: {  	s4 =	sld [smem:$0x3FA8]  }
0x2a: {  	p0 =	seq.s32 s5, $0x0;
	s5 =	sld [smem:$0x3FA9]  }
0x2b: {  	s6 =	sld [smem:$0x3FAA]  }
0x2c: {  	s7 =	sld [smem:$0x3FAB]  }
0x2d: {  	s3 =	simm.s32 $0x108;
	s8 =	sld [smem:$0x3FAC]  }
0x2e: {  	s3 =	simm.s32 @!p0 $0x1082;
	s9 =	sld [smem:$0x3FAD]  }
0x2f: {  	lr =	sadd.s32 s0, s3;
	s0 =	sld [smem:$0x3FA4]  }
0x30: {  	s3 =	sld [smem:$0x3FA7]  }
0x31: {  	[smem:$0x3FB0] =	sst s10  }
0x32: {  	s10 =	sld [smem:$0x3FAE];
	_ =	sdelay $0x3  }
0x33: {  	p0 =	seq.s32 s10, $0x1;
	s10 =	sld [smem:$0x3FB0];
	_ =	sdelay $0x3  }
0x34: {  	[smem:$0x3FB0] =	sst s10  }
0x35: {  	s10 =	sld [smem:$0x3FAF];
	_ =	sdelay $0x3  }
0x36: {  	p1 =	seq.s32 s10, $0x1;
	s10 =	sld [smem:$0x3FB0];
	_ =	sdelay $0x3  }
0x37: {  	[smem:$0x3FB0] =	sst s10  }
0x38: {  	s10 =	sld [smem:$0x3FB1]  }
0x39: {  	_ = 	snop;
	(pc) =	sbr.ind lr, $3  }
0x3a: {  	_ = 	snop  }
0x3b: {  	_ = 	snop  }
0x3c: {  	p2 =	seq.s32 s10, $0x1;
	s10 =	sld [smem:$0x3FB0]  }
0x3d: {  	_ =	shalt  }
0x3e: {  	_ =	shalt  }
0x3f: {  	_ =	shalt  }
0x40: {  	_ =	shalt  }
0x41: {  	_ =	shalt  }
0x42: {  	_ =	shalt  }
0x43: {  	_ =	shalt  }
0x44: {  	_ =	shalt  }
0x45: {  	_ =	shalt  }
0x46: {  	_ =	shalt  }
0x47: {  	_ =	shalt  }
0x48: {  	_ =	shalt  }
0x49: {  	_ =	shalt  }
0x4a: {  	_ =	shalt  }
0x4b: {  	_ =	shalt  }
0x4c: {  	_ =	shalt  }
0x4d: {  	_ =	shalt  }
0x4e: {  	_ =	shalt  }
0x4f: {  	_ =	shalt  }
0x50: {  	_ =	shalt  }
0x51: {  	_ =	shalt  }
0x52: {  	_ =	shalt  }
0x53: {  	_ =	shalt  }
0x54: {  	_ =	shalt  }
0x55: {  	_ =	shalt  }
0x56: {  	_ =	shalt  }
0x57: {  	_ =	shalt  }
0x58: {  	_ =	shalt  }
0x59: {  	_ =	shalt  }
0x5a: {  	_ =	shalt  }
0x5b: {  	_ =	shalt  }
0x5c: {  	_ =	shalt  }
0x5d: {  	_ =	shalt  }
0x5e: {  	_ =	shalt  }
0x5f: {  	_ =	shalt  }
0x60: {  	_ =	shalt  }
0x61: {  	_ =	shalt  }
0x62: {  	_ =	shalt  }
0x63: {  	_ =	shalt  }
0x64: {  	_ =	shalt  }
0x65: {  	_ =	shalt  }
0x66: {  	_ =	shalt  }
0x67: {  	_ =	shalt  }
0x68: {  	_ =	shalt  }
0x69: {  	_ =	shalt  }
0x6a: {  	_ =	shalt  }
0x6b: {  	_ =	shalt  }
0x6c: {  	_ =	shalt  }
0x6d: {  	_ =	shalt  }
0x6e: {  	_ =	shalt  }
0x6f: {  	_ =	shalt  }
0x70: {  	_ =	shalt  }
0x71: {  	_ =	shalt  }
0x72: {  	_ =	shalt  }
0x73: {  	_ =	shalt  }
0x74: {  	_ =	shalt  }
0x75: {  	_ =	shalt  }
0x76: {  	_ =	shalt  }
0x77: {  	_ =	shalt  }
0x78: {  	_ =	shalt  }
0x79: {  	_ =	shalt  }
0x7a: {  	_ =	shalt  }
0x7b: {  	_ =	shalt  }
0x7c: {  	_ =	shalt  }
0x7d: {  	_ =	shalt  }
0x7e: {  	_ =	shalt  }
0x7f: {  	_ =	shalt  }
0x80: {  	_ =	shalt  }
0x81: {  	_ =	shalt  }
0x82: {  	_ =	shalt  }
0x83: {  	_ =	shalt  }
0x84: {  	_ =	shalt  }
0x85: {  	_ =	shalt  }
0x86: {  	_ =	shalt  }
0x87: {  	_ =	shalt  }
.Lfunc_end0:
.L_simem_size_0:
called_computation.2_lowered:
.L_overlay_start_0:
0x88: {  	s2 =	sld [smem:$0x3FD9]  }
0x89: {  	s3 =	sld [smem:$0x3FFE];
	_ =	sdelay $0x1  }
0x8a: {  	s1 =	srdreg.scid  }
0x8b: {  	s0 =	sand.u32 $0x1, s1  }
0x8c: {  	s17 =	sshll.u32 s0, $0xA;
	s2 =	sadd.s32 s3, s2  }
0x8d: {  	s2 =	sadd.s32 s2, s17  }
0x8e: {  	[smem:$0x3FBC] =	sst s2  }
0x8f: {  	_ = 	snop  }
0x90: {  	s2 =	sld [smem:$0x3FD0];
	(tm) =	ssettm $0x1  }
0x91: {  	s18 =	sld [smem:$0x3FFB];
	_ =	sdelay $0x3  }
0x92: {  	_ =	strace s18  }
0x93: {  	s3 =	sld [smem:$0x3FFC];
	_ =	sdelay $0x3  }
0x94: {  	_ =	strace s3  }
0x95: {  	s3 =	sld [smem:$0x3FFD];
	_ =	sdelay $0x3  }
0x96: {  	_ =	strace s3  }
0x97: {  	_ =	strace $0x8FFFFFFF  }
0x98: {  	s19 =	sld [smem:$0x3FDB];
	_ =	sdelay $0x1  }
0x99: {  	s4 =	simm.s32 $_scs_section_size  }
0x9a: {  	s5 =	simm.s32 $_size__tile_overlayer_lowered;
	s6 =	simm.s32 $_tile_overlayer_lowered  }
0x9b: {  	s22 =	simm.s32 $0x1BFF;
	s21 =	sshll.u32 s6, $0x1;
	s3 =	sadd.s32 s4, s19  }
0x9c: {  	s7 =	simm.s32 $0x0;
	s20 =	sshll.u32 s5, $0x1;
	s5 =	sadd.s32 s21, s3  }
0x9d: {  	[timem:s7], [sflag:s22] =	dma.local [hbm:s5], s20  }
0x9e: {  	_ =	swait.ge [sflag:s22], s20  }
0x9f: {  	s4 =	ssub.s32 $0x0, s20;
	[sflag:s22] =	ssyncset.done $0x0  }
0xa0: {  	[sflag:s22] =	ssyncadd.s32 s4;
	_ =	sdelay $0x1  }
0xa1: {  	s23 =	simm.s32 $0x1B8B  }
0xa2: {  	_ =	swait.ge [sflag:s23], $0x1  }
0xa3: {  	[sflag:s23] =	ssyncset.done $0x0  }
0xa4: {  	s25 =	simm.s32 $0x1B8E;
	s24 =	sld [smem:$0x3FFE];
	[sflag:s23] =	ssyncadd.s32 $0xFFFFFFFF  }
0xa5: {  	s26 =	simm.s32 $execute0_lowered;
	[smem:$0x3FD2] =	sst s25  }
0xa6: {  	s5 =	sshll.u32 s26, $0x1;
	_ =	strace $0x8000004C;
	[dreg:$0x1] =	wrdreg $0xFFFFFFFF  }
0xa7: {  	s28 =	simm.s32 $_size_execute0_lowered;
	s3 =	sadd.s32 s3, s5;
	[dreg:$0x0] =	wrdreg $0x0  }
0xa8: {  	s5 =	sshll.u32 s28, $0x1;
	[dreg:$0x2] =	wrdreg s3  }
0xa9: {  	[dreg:$0x3] =	wrdreg s5  }
0xaa: {  	[dreg:$0x4] =	wrdreg $0xC0  }
0xab: {  	_ =	task [dreg:s7], $0x5FFFF  }
0xac: {  	[dreg:$0x1] =	wrdreg $0xFFFFFFFF  }
0xad: {  	[dreg:$0x0] =	wrdreg $0x60  }
0xae: {  	[dreg:$0x2] =	wrdreg s2  }
0xaf: {  	[dreg:$0x3] =	wrdreg s24  }
0xb0: {  	[dreg:$0x4] =	wrdreg $0x52000  }
0xb1: {  	[dreg:$0x5] =	wrdreg $0x9  }
0xb2: {  	_ =	task.clear_ibuf [dreg:s7], $0x6FFFF;
	_ =	strace $0x9000004C  }
0xb3: {  	s29 =	simm.s32 $0x9;
	_ =	strace $0x8000004E  }
0xb4: {  	_ =	swait.ge [sflag:s29], $0x1  }
0xb5: {  	[sflag:s29] =	ssyncadd.s32 $0xFFFFFFFF  }
0xb6: {  	_ =	strace $0x9000004E  }
0xb7: {  	_ =	sfence  }
0xb8: {  	s30 =	sld [smem:$0x0];
	_ =	sdelay $0x2  }
0xb9: {  	s31 =	sshll.u32 s1, $0xD;
	s1 =	sshrl.u32 s1, $0x2  }
0xba: {  	s3 =	sand.u32 $0x4000, s31;
	s1 =	sadd.s32 s1, s30  }
0xbb: {  	s0 =	sor.u32 s3, s0;
	s1 =	sshll.u32 s1, $0x11  }
0xbc: {  	s0 =	sor.u32 s1, s0  }
0xbd: {  	s0 =	sadd.s32 $0x8F2B, s0  }
0xbe: {  	[sflag:s0] =	ssyncadd.remote.s32 $0x1  }
0xbf: {  	_ =	sfence.sel $0xFFFF  }
0xc0: {  	[dreg:$0x0] =	wrdreg $0xFFFFFFFF;
	(pc) =	sbr.abs _section_cstart, $3  }
0xc1: {  	[dreg:$0x1] =	wrdreg $0xFFFFFFFF  }
0xc2: {  	_ =	task.clear_ibuf [dreg:s7], $0x2FFFF;
	_ =	strace $0x9FFFFFFF  }
0xc3: {  	(tm) =	ssettm $0x7FFFFFFF  }
tec
execute0_lowered:
.L_overlay_start_1:
0x0: {  	(tag) =	ssettag $0x1  }
0x1: {  	s1 =	rddreg [dreg:$0x0]  }
0x2: {  	s7 =	rddreg [dreg:$0x1]  }
0x3: {  	s3 =	rddreg [dreg:$0x2];
	s4 =	simm.s32 $0x0  }
0x4: {  	s0 =	stileid.u32;
	s5 =	srdreg.scid;
	s18 =	simm.s32 $0x80  }
0x5: {  	s19 =	simm.s32 $0x50;
	s20 =	simm.s32 $0x100;
	s21 =	simm.s32 $0x2900  }
0x6: {  	s22 =	simm.s32 $0x2980;
	[smem:$0x7FF] =	sst s4;
	s8 =	smul.u32 $0x2800, s0  }
0x7: {  	s9 =	sand.u32 $0x1, s5;
	s5 =	sadd.s32 $0x170800, s7;
	s12 =	smul.u32 $0x50000, s0  }
0x8: {  	s6 =	sadd.s32 $0x11B200, s7;
	s14 =	smul.u32 $0x13B0, s0;
	s29 =	sshll.u32 s0, $0x6  }
0x9: {  	_ =	strace $0x8000004D;
	s10 =	smul.u32 $0x28000, s9;
	s11 =	sshll.u32 s9, $0x4  }
0xa: {  	s25 =	ssub.s32 $0x2, s9;
	s26 =	smul.u32 $0x13B00, s9;
	s11 =	sor.u32 s0, s11  }
0xb: {  	s13 =	sadd.s32 s8, s7;
	s28 =	sshrl.u32 s25, $0x1;
	s12 =	sshrl.u32 s12, $0x2  }
0xc: {  	s8 =	sadd.s32 s8, s10;
	s23 =	smul.u32 $0x13B0, s11;
	s15 =	ssub.s32 s25, s28  }
0xd: {  	s16 =	sadd.s32 s12, s3;
	s30 =	sadd.s32 s14, s26;
	s25 =	simm.s32 $0x2  }
0xe: {  	s26 =	simm.s32 $0x0;
	s24 =	sadd.s32 s8, s7;
	s7 =	sadd.s32 $0xA3200, s13  }
0xf: {  	s8 =	sor.u32 $0x1C03, s29;
	s31 =	sadd.s32 $0x50, s30;
	s12 =	smax.u32 s15, $0x1  }
0x10: {  	s13 =	sadd.s32 $0xA0, s30;
	s16 =	sshrl.u32 s16, $0x3;
	s10 =	sshrl.u32 s23, $0x3  }
0x11: {  	s11 =	sadd.s32 $0xCB200, s24;
	s17 =	sshrl.u32 s31, $0x3;
	s23 =	simm.s32 $0x2A00  }
0x12: {  	s24 =	simm.s32 $0x1;
	s9 =	sadd.s32 s5, s10;
	s10 =	sadd.s32 s6, s10  }
0x13: {  	s14 =	sadd.s32 s17, s6;
	s15 =	sadd.s32 s17, s5;
	s17 =	simm.s32 $0x3  }
.LBB2_1:
0x14: {  	[spmem:s16], [sflag:s8] =	dma.local [hbm:s7], $0x2800  }
0x15: {  	_ =	swait.ge [sflag:s17], $0x2800  }
0x16: {  	[sflag:s17] =	ssyncset.done $0x0  }
0x17: {  	[sflag:s17] =	ssyncadd.s32 $0xFFFFD800  }
0x18: {  	[bflag:$0x0] =	sbarrier.arrive $0xFFFF  }
0x19: {  	[tilespmem:s4], [sflag:$0x3] =	stream.linear.gather [hbm4b:s9+s4], $0x50, $0x38;
	[tilespmem:$0x19200] =	vst v63  }
0x1a: {  	_ =	swait.ge [sflag:s17], $0x50  }
0x1b: {  	[sflag:s17] =	ssyncset.done $0x0  }
0x1c: {  	[sflag:s17] =	ssyncadd.s32 $0xFFFFFFB0  }
0x1d: {  	[tilespmem:s18], [sflag:$0x3] =	stream.linear.gather [hbm4b:s10+s4], $0x50, $0x38;
	[tilespmem:$0x19200] =	vst v63  }
0x1e: {  	_ =	swait.ge [sflag:s17], $0x50  }
0x1f: {  	[sflag:s17] =	ssyncset.done $0x0  }
0x20: {  	[sflag:s17] =	ssyncadd.s32 $0xFFFFFFB0  }
0x21: {  	[tilespmem:s20], [sflag:$0x1] =	stream.indirect.gather [hbm4b:s1+s19], $0x80, s4, s19, $0xb8;
	[tilespmem:$0x19200] =	vst v63  }
0x22: {  	s28 =	sadd.s32 $0x0, s15  }
0x23: {  	[tilespmem:s21], [sflag:$0x3] =	stream.linear.gather [hbm4b:s28+s4], $0x50, $0x38;
	[tilespmem:$0x19200] =	vst v63  }
0x24: {  	_ =	swait.ge [sflag:s17], $0x50  }
0x25: {  	[sflag:s17] =	ssyncset.done $0x0  }
0x26: {  	s28 =	sadd.s32 $0x0, s14;
	[sflag:s17] =	ssyncadd.s32 $0xFFFFFFB0  }
0x27: {  	[tilespmem:s22], [sflag:$0x3] =	stream.linear.gather [hbm4b:s28+s4], $0x50, $0x38;
	[tilespmem:$0x19200] =	vst v63  }
0x28: {  	_ =	swait.ge [sflag:s17], $0x50  }
0x29: {  	[sflag:s17] =	ssyncset.done $0x0  }
0x2a: {  	[sflag:s17] =	ssyncadd.s32 $0xFFFFFFB0  }
0x2b: {  	[tilespmem:s23], [sflag:$0x2] =	stream.indirect.gather [hbm4b:s1+s19], $0x80, s21, s19, $0xb8;
	[tilespmem:$0x19200] =	vst v63  }
0x2c: {  	_ =	swait.ge [sflag:s24], $0x2800  }
0x2d: {  	[sflag:s24] =	ssyncset.done $0x0  }
0x2e: {  	[sflag:s24] =	ssyncadd.s32 $0xFFFFD800  }
0x2f: {  	[spmem:s3] =	stream.indirect.scatter.add.f32 [tilespmem:s20], [sflag:$0x3], $0x80, s18, s19, $0xb8;
	[tilespmem:$0x19200] =	vst v63  }
0x30: {  	_ =	swait.ge [sflag:s17], $0x2800  }
0x31: {  	s28 =	sshrl.u32 s13, $0x3;
	[sflag:s17] =	ssyncset.done $0x0  }
0x32: {  	s29 =	sadd.s32 s5, s28;
	[sflag:s17] =	ssyncadd.s32 $0xFFFFD800  }
0x33: {  	[tilespmem:s4], [sflag:$0x3] =	stream.linear.gather [hbm4b:s29+s4], $0x50, $0x38;
	[tilespmem:$0x19200] =	vst v63  }
0x34: {  	_ =	swait.ge [sflag:s17], $0x50  }
0x35: {  	[sflag:s17] =	ssyncset.done $0x0  }
0x36: {  	s28 =	sadd.s32 s6, s28;
	[sflag:s17] =	ssyncadd.s32 $0xFFFFFFB0  }
0x37: {  	[tilespmem:s18], [sflag:$0x3] =	stream.linear.gather [hbm4b:s28+s4], $0x50, $0x38;
	[tilespmem:$0x19200] =	vst v63  }
0x38: {  	_ =	swait.ge [sflag:s17], $0x50  }
0x39: {  	[sflag:s17] =	ssyncset.done $0x0  }
0x3a: {  	[sflag:s17] =	ssyncadd.s32 $0xFFFFFFB0  }
0x3b: {  	[tilespmem:s20], [sflag:$0x1] =	stream.indirect.gather [hbm4b:s1+s19], $0x80, s4, s19, $0xb8;
	[tilespmem:$0x19200] =	vst v63  }
0x3c: {  	_ =	swait.ge [sflag:s25], $0x2800  }
0x3d: {  	[sflag:s25] =	ssyncset.done $0x0  }
0x3e: {  	[sflag:s25] =	ssyncadd.s32 $0xFFFFD800  }
0x3f: {  	[spmem:s3] =	stream.indirect.scatter.add.f32 [tilespmem:s23], [sflag:$0x3], $0x80, s22, s19, $0xb8;
	[tilespmem:$0x19200] =	vst v63  }
0x40: {  	s31 =	simm.s32 $0x28;
	_ =	swait.ge [sflag:s17], $0x2800  }
0x41: {  	s29 =	simm.s32 $0x14;
	s28 =	sadd.s32 $0xA0, s13;
	[sflag:s17] =	ssyncset.done $0x0  }
.LBB2_2:
0x42: {  	s0 =	sadd.s32 s29, s15  }
0x43: {  	[sflag:s17] =	ssyncadd.s32 $0xFFFFD800;
	s2 =	smov.u32 s31;
	s30 =	sadd.s32 $0x14, s31  }
0x44: {  	[tilespmem:s21], [sflag:$0x3] =	stream.linear.gather [hbm4b:s0+s4], $0x50, $0x38;
	[tilespmem:$0x19200] =	vst v63  }
0x45: {  	p0 =	sne.s32 s31, $0x258;
	_ =	swait.ge [sflag:s17], $0x50  }
0x46: {  	[sflag:s17] =	ssyncset.done $0x0  }
0x47: {  	s0 =	sadd.s32 s29, s14;
	s29 =	smov.u32 s2;
	[sflag:s17] =	ssyncadd.s32 $0xFFFFFFB0  }
0x48: {  	[tilespmem:s22], [sflag:$0x3] =	stream.linear.gather [hbm4b:s0+s4], $0x50, $0x38;
	[tilespmem:$0x19200] =	vst v63  }
0x49: {  	_ =	swait.ge [sflag:s17], $0x50  }
0x4a: {  	[sflag:s17] =	ssyncset.done $0x0  }
0x4b: {  	[sflag:s17] =	ssyncadd.s32 $0xFFFFFFB0  }
0x4c: {  	[tilespmem:s23], [sflag:$0x2] =	stream.indirect.gather [hbm4b:s1+s19], $0x80, s21, s19, $0xb8;
	[tilespmem:$0x19200] =	vst v63  }
0x4d: {  	_ =	swait.ge [sflag:s24], $0x2800  }
0x4e: {  	[sflag:s24] =	ssyncset.done $0x0  }
0x4f: {  	[sflag:s24] =	ssyncadd.s32 $0xFFFFD800  }
0x50: {  	[spmem:s3] =	stream.indirect.scatter.add.f32 [tilespmem:s20], [sflag:$0x3], $0x80, s18, s19, $0xb8;
	[tilespmem:$0x19200] =	vst v63  }
0x51: {  	_ =	swait.ge [sflag:s17], $0x2800  }
0x52: {  	s0 =	sshrl.u32 s28, $0x3;
	[sflag:s17] =	ssyncset.done $0x0  }
0x53: {  	s2 =	sadd.s32 s5, s0;
	[sflag:s17] =	ssyncadd.s32 $0xFFFFD800  }
0x54: {  	[tilespmem:s4], [sflag:$0x3] =	stream.linear.gather [hbm4b:s2+s4], $0x50, $0x38;
	[tilespmem:$0x19200] =	vst v63  }
0x55: {  	_ =	swait.ge [sflag:s17], $0x50  }
0x56: {  	[sflag:s17] =	ssyncset.done $0x0  }
0x57: {  	s0 =	sadd.s32 s6, s0;
	[sflag:s17] =	ssyncadd.s32 $0xFFFFFFB0  }
0x58: {  	[tilespmem:s18], [sflag:$0x3] =	stream.linear.gather [hbm4b:s0+s4], $0x50, $0x38;
	[tilespmem:$0x19200] =	vst v63  }
0x59: {  	_ =	swait.ge [sflag:s17], $0x50  }
0x5a: {  	[sflag:s17] =	ssyncset.done $0x0  }
0x5b: {  	[sflag:s17] =	ssyncadd.s32 $0xFFFFFFB0  }
0x5c: {  	[tilespmem:s20], [sflag:$0x1] =	stream.indirect.gather [hbm4b:s1+s19], $0x80, s4, s19, $0xb8;
	[tilespmem:$0x19200] =	vst v63  }
0x5d: {  	_ =	swait.ge [sflag:s25], $0x2800  }
.Ltmp0:
0x5e: {  	[sflag:s25] =	ssyncset.done $0x0;
	(pc) =	sbr.rel @p0 .LBB2_2-.Ltmp0, $4  }
0x5f: {  	[sflag:s25] =	ssyncadd.s32 $0xFFFFD800  }
0x60: {  	[spmem:s3] =	stream.indirect.scatter.add.f32 [tilespmem:s23], [sflag:$0x3], $0x80, s22, s19, $0xb8;
	[tilespmem:$0x19200] =	vst v63  }
0x61: {  	_ =	swait.ge [sflag:s17], $0x2800  }
0x62: {  	s31 =	smov.u32 s30;
	s28 =	sadd.s32 $0xA0, s28;
	[sflag:s17] =	ssyncset.done $0x0  }
0x63: {  	s0 =	sadd.s32 s29, s15;
	[sflag:s17] =	ssyncadd.s32 $0xFFFFD800  }
0x64: {  	[tilespmem:s21], [sflag:$0x3] =	stream.linear.gather [hbm4b:s0+s4], $0x50, $0x38;
	[tilespmem:$0x19200] =	vst v63  }
0x65: {  	_ =	swait.ge [sflag:s17], $0x50  }
0x66: {  	[sflag:s17] =	ssyncset.done $0x0  }
0x67: {  	s30 =	sadd.s32 s29, s14;
	[sflag:s17] =	ssyncadd.s32 $0xFFFFFFB0  }
0x68: {  	[tilespmem:s22], [sflag:$0x3] =	stream.linear.gather [hbm4b:s30+s4], $0x50, $0x38;
	[tilespmem:$0x19200] =	vst v63  }
0x69: {  	_ =	swait.ge [sflag:s17], $0x50  }
0x6a: {  	[sflag:s17] =	ssyncset.done $0x0  }
0x6b: {  	[sflag:s17] =	ssyncadd.s32 $0xFFFFFFB0  }
0x6c: {  	[tilespmem:s23], [sflag:$0x2] =	stream.indirect.gather [hbm4b:s1+s19], $0x80, s21, s19, $0xb8;
	[tilespmem:$0x19200] =	vst v63  }
0x6d: {  	_ =	swait.ge [sflag:s24], $0x2800  }
0x6e: {  	[sflag:s24] =	ssyncset.done $0x0  }
0x6f: {  	[sflag:s24] =	ssyncadd.s32 $0xFFFFD800  }
0x70: {  	[spmem:s3] =	stream.indirect.scatter.add.f32 [tilespmem:s20], [sflag:$0x3], $0x80, s18, s19, $0xb8;
	[tilespmem:$0x19200] =	vst v63  }
0x71: {  	_ =	swait.ge [sflag:s17], $0x2800  }
0x72: {  	s31 =	sshrl.u32 s28, $0x3;
	[sflag:s17] =	ssyncset.done $0x0  }
0x73: {  	s2 =	sadd.s32 s5, s31;
	[sflag:s17] =	ssyncadd.s32 $0xFFFFD800  }
0x74: {  	[tilespmem:s4], [sflag:$0x3] =	stream.linear.gather [hbm4b:s2+s4], $0x50, $0x38;
	[tilespmem:$0x19200] =	vst v63  }
0x75: {  	_ =	swait.ge [sflag:s17], $0x50  }
0x76: {  	[sflag:s17] =	ssyncset.done $0x0  }
0x77: {  	s0 =	sadd.s32 s6, s31;
	[sflag:s17] =	ssyncadd.s32 $0xFFFFFFB0  }
0x78: {  	[tilespmem:s18], [sflag:$0x3] =	stream.linear.gather [hbm4b:s0+s4], $0x50, $0x38;
	[tilespmem:$0x19200] =	vst v63  }
0x79: {  	_ =	swait.ge [sflag:s17], $0x50  }
0x7a: {  	[sflag:s17] =	ssyncset.done $0x0  }
0x7b: {  	[sflag:s17] =	ssyncadd.s32 $0xFFFFFFB0  }
0x7c: {  	[tilespmem:s20], [sflag:$0x1] =	stream.indirect.gather [hbm4b:s1+s19], $0x80, s4, s19, $0xb8;
	[tilespmem:$0x19200] =	vst v63  }
0x7d: {  	_ =	swait.ge [sflag:s25], $0x2800  }
0x7e: {  	[sflag:s25] =	ssyncset.done $0x0  }
0x7f: {  	[sflag:s25] =	ssyncadd.s32 $0xFFFFD800  }
0x80: {  	[spmem:s3] =	stream.indirect.scatter.add.f32 [tilespmem:s23], [sflag:$0x3], $0x80, s22, s19, $0xb8;
	[tilespmem:$0x19200] =	vst v63  }
0x81: {  	_ =	swait.ge [sflag:s17], $0x2800  }
0x82: {  	[sflag:s17] =	ssyncset.done $0x0  }
0x83: {  	[sflag:s17] =	ssyncadd.s32 $0xFFFFD800  }
0x84: {  	_ =	swait.ge [sflag:s24], $0x2800  }
0x85: {  	[sflag:s24] =	ssyncset.done $0x0  }
0x86: {  	[sflag:s24] =	ssyncadd.s32 $0xFFFFD800  }
0x87: {  	[spmem:s3] =	stream.indirect.scatter.add.f32 [tilespmem:s20], [sflag:$0x3], $0x80, s18, s19, $0xb8;
	[tilespmem:$0x19200] =	vst v63  }
0x88: {  	_ =	swait.ge [sflag:s17], $0x2800  }
0x89: {  	s26 =	sadd.s32 $0x1, s26;
	[sflag:s17] =	ssyncset.done $0x0  }
0x8a: {  	p0 =	sne.s32 s26, s12;
	[sflag:s17] =	ssyncadd.s32 $0xFFFFD800  }
.Ltmp1:
0x8b: {  	[bflag:$0x0] =	sbarrier.arrive $0xFFFF;
	(pc) =	sbr.rel @p0 .LBB2_1-.Ltmp1, $4  }
0x8c: {  	[hbm:s11], [sflag:s8] =	dma.local [spmem:s16], $0x2800  }
0x8d: {  	_ =	swait.ge [sflag:s17], $0x2800  }
0x8e: {  	[sflag:s17] =	ssyncset.done $0x0  }
0x8f: {  	[sflag:s17] =	ssyncadd.s32 $0xFFFFD800  }
0x90: {  	_ =	sfence.sel $0x180000  }
0x91: {  	[bflag:$0x0] =	sbarrier.arrive $0xFFFF  }
0x92: {  	_ =	strace $0x9000004D  }
0x93: {  	s0 =	stileid.u32;
	[bflag:$0x2] =	sbarrier.arrive $0xFFFF  }
0x94: {  	p0 =	sne.s32 s0, $0x0;
	s0 =	rddreg [dreg:$0x3]  }
0x95: {  	s0 =	sadd.s32 @!p0 $0x100000, s0  }
0x96: {  	[sflag:s0] =	ssyncadd.tile.s32 @!p0 $0x1;
	_ =	shalt  }
.Lfunc_end2:
_tile_overlayer_lowered:
.L_overlay_start_2:
0x97: {  	(tag) =	ssettag $0x2  }
0x98: {  	s0 =	rddreg [dreg:$0x0];
	s2 =	stileid.u32  }
0x99: {  	s1 =	rddreg [dreg:$0x1];
	p0 =	sne.s32 s2, $0x0  }
0x9a: {  	s3 =	rddreg [dreg:$0x2];
	[bflag:$0x3] =	sbarrier.arrive $0xFFFF;
	s2 =	simm.s32 @!p0 $0x1C03  }
0x9b: {  	[timem:s3], [sflag:s2] =	dma.local @!p0 [hbm:s0], s1  }
0x9c: {  	s0 =	simm.s32 @!p0 $0x3  }
0x9d: {  	_ =	swait.ge @!p0 [sflag:s0], s1  }
0x9e: {  	s1 =	ssub.s32 @!p0 $0x0, s1;
	[sflag:s0] =	ssyncset.done @!p0 $0x0  }
0x9f: {  	[sflag:s0] =	ssyncadd.s32 @!p0 s1  }
0xa0: {  	[bflag:$0x3] =	sbarrier.arrive $0xFFFF  }
0xa1: {  	_ =	shalt  }

// kernel: kernel.8.cloned.1.call-start
scs
__scs_entry_jumppad:
0x0: {  	(pc) =	sbr.rel $0x88, $3  }
0x1: {  	(tag) =	ssettag $0x0;
	lr =	simm.s32 $0x1  }
0x2: {  	[smem:$0x3F95] =	sst lr;
	_ =	strace $0xD0000000  }
0x3: {  	_ = 	snop  }
0x4: {  	_ = 	snop  }
0x5: {  	_ = 	snop  }
0x6: {  	_ = 	snop  }
0x7: {  	_ = 	snop  }
__scs_overlays_trampoline_lowered:
0x8: {  	[smem:$0x3FA4] =	sst s0  }
0x9: {  	[smem:$0x3FA5] =	sst s1  }
0xa: {  	[smem:$0x3FA6] =	sst s2  }
0xb: {  	[smem:$0x3FA7] =	sst s3  }
0xc: {  	[smem:$0x3FA8] =	sst s4  }
0xd: {  	[smem:$0x3FA9] =	sst s5  }
0xe: {  	[smem:$0x3FAA] =	sst s6  }
0xf: {  	[smem:$0x3FAB] =	sst s7  }
0x10: {  	[smem:$0x3FAC] =	sst s8  }
0x11: {  	[smem:$0x3FAD] =	sst s9;
	s0 =	simm.s32 @!p0 $0x0  }
0x12: {  	s1 =	sld [smem:$0x3F93];
	s0 =	simm.s32 @p0 $0x1  }
0x13: {  	[smem:$0x3FAE] =	sst s0;
	s0 =	simm.s32 @!p1 $0x0  }
0x14: {  	s2 =	sld [smem:$0x3F92];
	s0 =	simm.s32 @p1 $0x1  }
0x15: {  	[smem:$0x3FAF] =	sst s0;
	s0 =	simm.s32 @!p2 $0x0  }
0x16: {  	s3 =	sld [smem:$0x3FDB];
	s0 =	simm.s32 @p2 $0x1  }
0x17: {  	s4 =	simm.s32 $0x1BF5;
	[smem:$0x3FB1] =	sst s0  }
0x18: {  	s0 =	sld [smem:$0x3F94];
	_ =	swait.ge [sflag:s4], $0x0  }
0x19: {  	s7 =	sld [smem:$0x3F95]  }
0x1a: {  	s8 =	sadd.s32 $0xFFFFE003, lr  }
0x1b: {  	s9 =	sadd.s32 $0xFFFFFEF7, lr;
	s5 =	simm.s32 $0xFFFFFFFF;
	p2 =	slt.u32 s8, $0xFFFFF086  }
0x1c: {  	p1 =	slt.u32 s9, $0xF7A;
	s5 =	simm.s32 @!p2 $0x0  }
0x1d: {  	s5 =	simm.s32 @p1 $0x1;
	p0 =	seq.s32 s7, s2  }
0x1e: {  	s7 =	smul.u32 @!p0 $0xF7A, s2;
	p2 =	seq.s32 @!p0 s5, $0x0  }
0x1f: {  	s9 =	smul.u32 $0xF7A, s1;
	s8 =	simm.s32 @!p0 $0x1BF5;
	p2 =	por !p2, p0  }
0x20: {  	[sflag:s8] =	ssyncset.s32 @!p0 $0xFFFFF086;
	s6 =	sadd.s32 @!p0 s3, s7;
	s7 =	simm.s32 @!p0 $0x108  }
0x21: {  	s3 =	sadd.s32 s3, s9;
	s6 =	sadd.s32 @!p0 $0x88, s6;
	s7 =	simm.s32 @p2 $0x1082  }
0x22: {  	[simem:s7], [sflag:s8] =	dma.local @!p0 [hbm:s6], $0xF7A  }
0x23: {  	s9 =	sor.u32 $0xD0000000, s2;
	s6 =	simm.s32 $0x108;
	_ =	swait.ge @!p0 [sflag:s8], $0x0  }
0x24: {  	s3 =	sadd.s32 $0x88, s3;
	s6 =	simm.s32 @!p1 $0x1082;
	[sflag:s4] =	ssyncset.s32 $0xFFFFF086  }
0x25: {  	[simem:s6], [sflag:s4] =	dma.local [hbm:s3], $0xF7A  }
0x26: {  	[smem:$0x3F95] =	sst s1;
	(tag) =	ssettag s2;
	_ =	strace s9  }
0x27: {  	s1 =	sld [smem:$0x3FA5]  }
0x28: {  	s2 =	sld [smem:$0x3FA6]  }
0x29: {  	s4 =	sld [smem:$0x3FA8]  }
0x2a: {  	p0 =	seq.s32 s5, $0x0;
	s5 =	sld [smem:$0x3FA9]  }
0x2b: {  	s6 =	sld [smem:$0x3FAA]  }
0x2c: {  	s7 =	sld [smem:$0x3FAB]  }
0x2d: {  	s3 =	simm.s32 $0x108;
	s8 =	sld [smem:$0x3FAC]  }
0x2e: {  	s3 =	simm.s32 @!p0 $0x1082;
	s9 =	sld [smem:$0x3FAD]  }
0x2f: {  	lr =	sadd.s32 s0, s3;
	s0 =	sld [smem:$0x3FA4]  }
0x30: {  	s3 =	sld [smem:$0x3FA7]  }
0x31: {  	[smem:$0x3FB0] =	sst s10  }
0x32: {  	s10 =	sld [smem:$0x3FAE];
	_ =	sdelay $0x3  }
0x33: {  	p0 =	seq.s32 s10, $0x1;
	s10 =	sld [smem:$0x3FB0];
	_ =	sdelay $0x3  }
0x34: {  	[smem:$0x3FB0] =	sst s10  }
0x35: {  	s10 =	sld [smem:$0x3FAF];
	_ =	sdelay $0x3  }
0x36: {  	p1 =	seq.s32 s10, $0x1;
	s10 =	sld [smem:$0x3FB0];
	_ =	sdelay $0x3  }
0x37: {  	[smem:$0x3FB0] =	sst s10  }
0x38: {  	s10 =	sld [smem:$0x3FB1]  }
0x39: {  	_ = 	snop;
	(pc) =	sbr.ind lr, $3  }
0x3a: {  	_ = 	snop  }
0x3b: {  	_ = 	snop  }
0x3c: {  	p2 =	seq.s32 s10, $0x1;
	s10 =	sld [smem:$0x3FB0]  }
0x3d: {  	_ =	shalt  }
0x3e: {  	_ =	shalt  }
0x3f: {  	_ =	shalt  }
0x40: {  	_ =	shalt  }
0x41: {  	_ =	shalt  }
0x42: {  	_ =	shalt  }
0x43: {  	_ =	shalt  }
0x44: {  	_ =	shalt  }
0x45: {  	_ =	shalt  }
0x46: {  	_ =	shalt  }
0x47: {  	_ =	shalt  }
0x48: {  	_ =	shalt  }
0x49: {  	_ =	shalt  }
0x4a: {  	_ =	shalt  }
0x4b: {  	_ =	shalt  }
0x4c: {  	_ =	shalt  }
0x4d: {  	_ =	shalt  }
0x4e: {  	_ =	shalt  }
0x4f: {  	_ =	shalt  }
0x50: {  	_ =	shalt  }
0x51: {  	_ =	shalt  }
0x52: {  	_ =	shalt  }
0x53: {  	_ =	shalt  }
0x54: {  	_ =	shalt  }
0x55: {  	_ =	shalt  }
0x56: {  	_ =	shalt  }
0x57: {  	_ =	shalt  }
0x58: {  	_ =	shalt  }
0x59: {  	_ =	shalt  }
0x5a: {  	_ =	shalt  }
0x5b: {  	_ =	shalt  }
0x5c: {  	_ =	shalt  }
0x5d: {  	_ =	shalt  }
0x5e: {  	_ =	shalt  }
0x5f: {  	_ =	shalt  }
0x60: {  	_ =	shalt  }
0x61: {  	_ =	shalt  }
0x62: {  	_ =	shalt  }
0x63: {  	_ =	shalt  }
0x64: {  	_ =	shalt  }
0x65: {  	_ =	shalt  }
0x66: {  	_ =	shalt  }
0x67: {  	_ =	shalt  }
0x68: {  	_ =	shalt  }
0x69: {  	_ =	shalt  }
0x6a: {  	_ =	shalt  }
0x6b: {  	_ =	shalt  }
0x6c: {  	_ =	shalt  }
0x6d: {  	_ =	shalt  }
0x6e: {  	_ =	shalt  }
0x6f: {  	_ =	shalt  }
0x70: {  	_ =	shalt  }
0x71: {  	_ =	shalt  }
0x72: {  	_ =	shalt  }
0x73: {  	_ =	shalt  }
0x74: {  	_ =	shalt  }
0x75: {  	_ =	shalt  }
0x76: {  	_ =	shalt  }
0x77: {  	_ =	shalt  }
0x78: {  	_ =	shalt  }
0x79: {  	_ =	shalt  }
0x7a: {  	_ =	shalt  }
0x7b: {  	_ =	shalt  }
0x7c: {  	_ =	shalt  }
0x7d: {  	_ =	shalt  }
0x7e: {  	_ =	shalt  }
0x7f: {  	_ =	shalt  }
0x80: {  	_ =	shalt  }
0x81: {  	_ =	shalt  }
0x82: {  	_ =	shalt  }
0x83: {  	_ =	shalt  }
0x84: {  	_ =	shalt  }
0x85: {  	_ =	shalt  }
0x86: {  	_ =	shalt  }
0x87: {  	_ =	shalt  }
.Lfunc_end0:
.L_simem_size_0:
called_computation_lowered:
.L_overlay_start_0:
0x88: {  	s2 =	sld [smem:$0x3FD9]  }
0x89: {  	s3 =	sld [smem:$0x3FFE];
	_ =	sdelay $0x1  }
0x8a: {  	s1 =	srdreg.scid  }
0x8b: {  	s0 =	sand.u32 $0x1, s1  }
0x8c: {  	s17 =	sshll.u32 s0, $0xA;
	s2 =	sadd.s32 s3, s2  }
0x8d: {  	s2 =	sadd.s32 s2, s17  }
0x8e: {  	[smem:$0x3FBC] =	sst s2  }
0x8f: {  	_ = 	snop  }
0x90: {  	(tm) =	ssettm $0x1  }
0x91: {  	s18 =	sld [smem:$0x3FFB];
	_ =	sdelay $0x3  }
0x92: {  	_ =	strace s18  }
0x93: {  	s2 =	sld [smem:$0x3FFC];
	_ =	sdelay $0x3  }
0x94: {  	_ =	strace s2  }
0x95: {  	s2 =	sld [smem:$0x3FFD];
	_ =	sdelay $0x3  }
0x96: {  	_ =	strace s2  }
0x97: {  	_ =	strace $0x8FFFFFFF  }
0x98: {  	s19 =	sld [smem:$0x3FDB];
	_ =	sdelay $0x1  }
0x99: {  	s20 =	simm.s32 $_scs_section_size  }
0x9a: {  	s4 =	simm.s32 $_size__tile_overlayer_lowered;
	s5 =	simm.s32 $_tile_overlayer_lowered  }
0x9b: {  	s6 =	simm.s32 $0x1BFF;
	s21 =	sshll.u32 s5, $0x1;
	s3 =	sadd.s32 s20, s19  }
0x9c: {  	s22 =	simm.s32 $0x0;
	s4 =	sshll.u32 s4, $0x1;
	s5 =	sadd.s32 s21, s3  }
0x9d: {  	[timem:s22], [sflag:s6] =	dma.local [hbm:s5], s4  }
0x9e: {  	_ =	swait.ge [sflag:s6], s4  }
0x9f: {  	s4 =	ssub.s32 $0x0, s4;
	[sflag:s6] =	ssyncset.done $0x0  }
0xa0: {  	[sflag:s6] =	ssyncadd.s32 s4;
	_ =	sdelay $0x1  }
0xa1: {  	s23 =	simm.s32 $0x1B8B  }
0xa2: {  	_ =	swait.ge [sflag:s23], $0x1  }
0xa3: {  	[sflag:s23] =	ssyncset.done $0x0  }
0xa4: {  	[sflag:s23] =	ssyncadd.s32 $0xFFFFFFFF  }
0xa5: {  	s4 =	sld [smem:$0x0]  }
0xa6: {  	s5 =	sand.u32 $0xFFFFFFFE, s1  }
0xa7: {  	p0 =	sne.s32 s1, s5  }
0xa8: {  	s5 =	sshll.u32 @p0 s5, $0xE  }
0xa9: {  	s5 =	sadd.s32 @p0 $0x11B8D, s5;
	s6 =	sshll.u32 @p0 s4, $0x11  }
0xaa: {  	s5 =	sor.u32 @p0 s6, s5  }
0xab: {  	[sflag:s5] =	ssyncadd.remote.s32 @p0 $0x1;
	_ =	sdelay $0x1  }
0xac: {  	s5 =	simm.s32 @p0 $0x1B8D  }
0xad: {  	_ =	swait.eq @p0 [sflag:s5], $0x1  }
0xae: {  	[sflag:s5] =	ssyncadd.s32 @p0 $0xFFFFFFFF  }
0xaf: {  	s6 =	sshll.u32 @!p0 s1, $0xE  }
0xb0: {  	s6 =	sor.u32 @!p0 $0x4000, s6;
	s5 =	simm.s32 @!p0 $0x1B8D  }
0xb1: {  	s4 =	sshll.u32 @!p0 s4, $0x11;
	s6 =	sadd.s32 @!p0 $0x11B8D, s6;
	_ =	swait.eq @!p0 [sflag:s5], $0x1  }
0xb2: {  	s4 =	sor.u32 @!p0 s4, s6;
	[sflag:s5] =	ssyncadd.s32 @!p0 $0xFFFFFFFF  }
0xb3: {  	s25 =	simm.s32 $0x1B8E;
	s24 =	sld [smem:$0x3FFE];
	[sflag:s4] =	ssyncadd.remote.s32 @!p0 $0x1  }
0xb4: {  	s26 =	simm.s32 $execute0_lowered;
	[smem:$0x3FD2] =	sst s25  }
0xb5: {  	s5 =	sshll.u32 s26, $0x1;
	_ =	strace $0x80000049;
	[dreg:$0x1] =	wrdreg $0xFFFFFFFF  }
0xb6: {  	s28 =	simm.s32 $_size_execute0_lowered;
	s3 =	sadd.s32 s3, s5;
	[dreg:$0x0] =	wrdreg $0x0  }
0xb7: {  	s5 =	sshll.u32 s28, $0x1;
	[dreg:$0x2] =	wrdreg s3  }
0xb8: {  	[dreg:$0x3] =	wrdreg s5  }
0xb9: {  	[dreg:$0x4] =	wrdreg $0xC0  }
0xba: {  	_ =	task [dreg:s22], $0x5FFFF  }
0xbb: {  	[dreg:$0x1] =	wrdreg $0xFFFFFFFF  }
0xbc: {  	[dreg:$0x0] =	wrdreg $0x60  }
0xbd: {  	[dreg:$0x2] =	wrdreg s24  }
0xbe: {  	[dreg:$0x3] =	wrdreg $0x29000  }
0xbf: {  	[dreg:$0x4] =	wrdreg $0x9  }
0xc0: {  	_ =	task.clear_ibuf [dreg:s22], $0x5FFFF;
	_ =	strace $0x90000049  }
0xc1: {  	s29 =	simm.s32 $0x9;
	_ =	strace $0x8000004B  }
0xc2: {  	_ =	swait.ge [sflag:s29], $0x1  }
0xc3: {  	[sflag:s29] =	ssyncadd.s32 $0xFFFFFFFF  }
0xc4: {  	_ =	strace $0x9000004B  }
0xc5: {  	_ =	sfence  }
0xc6: {  	s30 =	sld [smem:$0x0];
	_ =	sdelay $0x2  }
0xc7: {  	s31 =	sshll.u32 s1, $0xD;
	s1 =	sshrl.u32 s1, $0x2  }
0xc8: {  	s4 =	sand.u32 $0x4000, s31;
	s1 =	sadd.s32 s1, s30  }
0xc9: {  	s0 =	sor.u32 s4, s0;
	s1 =	sshll.u32 s1, $0x11  }
0xca: {  	s0 =	sor.u32 s1, s0  }
0xcb: {  	s0 =	sadd.s32 $0x8F2B, s0  }
0xcc: {  	[sflag:s0] =	ssyncadd.remote.s32 $0x1  }
0xcd: {  	_ =	sfence.sel $0xFFFF  }
0xce: {  	[dreg:$0x0] =	wrdreg $0xFFFFFFFF;
	(pc) =	sbr.abs _section_cstart, $3  }
0xcf: {  	[dreg:$0x1] =	wrdreg $0xFFFFFFFF  }
0xd0: {  	_ =	task.clear_ibuf [dreg:s22], $0x2FFFF;
	_ =	strace $0x9FFFFFFF  }
0xd1: {  	(tm) =	ssettm $0x7FFFFFFF  }
tec
execute0_lowered:
.L_overlay_start_1:
0x0: {  	(tag) =	ssettag $0x1  }
0x1: {  	s6 =	rddreg [dreg:$0x0]  }
0x2: {  	s2 =	rddreg [dreg:$0x1]  }
0x3: {  	s0 =	rddreg [dreg:$0x2];
	s3 =	simm.s32 $0x0;
	s1 =	stileid.u32  }
0x4: {  	s5 =	srdreg.scid;
	s15 =	simm.s32 $0x100;
	s16 =	simm.s32 $0x50  }
0x5: {  	s17 =	simm.s32 $0x80;
	s18 =	simm.s32 $0x1;
	s19 =	simm.s32 $0x2  }
0x6: {  	s20 =	simm.s32 $0x0;
	[smem:$0x7FF] =	sst s3;
	s7 =	smul.u32 $0x2800, s1  }
0x7: {  	s4 =	sadd.s32 $0x11B200, s6;
	s8 =	sand.u32 $0x1, s5;
	s12 =	smul.u32 $0x50000, s1  }
0x8: {  	s5 =	sadd.s32 $0x120200, s6;
	s28 =	smul.u32 $0x13B0, s1;
	s29 =	sshll.u32 s1, $0x6  }
0x9: {  	_ =	strace $0x8000004A;
	s10 =	smul.u32 $0x28000, s8;
	s11 =	sshll.u32 s8, $0x4  }
0xa: {  	s24 =	ssub.s32 $0x2, s8;
	s8 =	smul.u32 $0x13B00, s8;
	s9 =	sadd.s32 s7, s6  }
0xb: {  	s11 =	sor.u32 s1, s11;
	s25 =	sshrl.u32 s24, $0x1;
	s26 =	sshrl.u32 s12, $0x2  }
0xc: {  	s7 =	sadd.s32 s7, s10;
	s11 =	smul.u32 $0x13B0, s11;
	s10 =	ssub.s32 s24, s25  }
0xd: {  	s14 =	sadd.s32 s26, s2;
	s31 =	sadd.s32 s28, s8;
	s13 =	sadd.s32 s7, s6  }
0xe: {  	s6 =	sadd.s32 $0xA3200, s9;
	s7 =	sor.u32 $0x1C03, s29;
	s12 =	sadd.s32 $0x50, s31  }
0xf: {  	s10 =	smax.u32 s10, $0x1;
	s30 =	sshrl.u32 s11, $0x3;
	s9 =	sadd.s32 $0x120800, s13  }
0x10: {  	s11 =	sadd.s32 $0xA0, s31;
	s12 =	sshrl.u32 s12, $0x3;
	s13 =	sshrl.u32 s14, $0x3  }
0x11: {  	s14 =	simm.s32 $0x3;
	s8 =	sadd.s32 s4, s30;
	s12 =	sadd.s32 s12, s4  }
.LBB2_1:
0x12: {  	[spmem:s13], [sflag:s7] =	dma.local [hbm:s6], $0x2800  }
0x13: {  	_ =	swait.ge [sflag:s14], $0x2800  }
0x14: {  	[sflag:s14] =	ssyncset.done $0x0  }
0x15: {  	[sflag:s14] =	ssyncadd.s32 $0xFFFFD800  }
0x16: {  	[tilespmem:s15], [sflag:$0x3] =	stream.linear.gather [hbm4b:s5+s3], $0x2800, $0x38;
	[tilespmem:$0x16900] =	vst v63  }
0x17: {  	_ =	swait.ge [sflag:s14], $0x2800  }
0x18: {  	[sflag:s14] =	ssyncset.done $0x0  }
0x19: {  	[sflag:s14] =	ssyncadd.s32 $0xFFFFD800  }
0x1a: {  	[bflag:$0x0] =	sbarrier.arrive $0xFFFF  }
0x1b: {  	[tilespmem:s3], [sflag:$0x3] =	stream.linear.gather [hbm4b:s8+s3], $0x50, $0x38;
	[tilespmem:$0x16900] =	vst v63  }
0x1c: {  	_ =	swait.ge [sflag:s14], $0x50  }
0x1d: {  	[sflag:s14] =	ssyncset.done $0x0  }
0x1e: {  	[sflag:s14] =	ssyncadd.s32 $0xFFFFFFB0  }
0x1f: {  	[spmem:s2] =	stream.indirect.scatter.add.f32 [tilespmem:s15], [sflag:$0x1], $0x80, s3, s16, $0xb8;
	[tilespmem:$0x16900] =	vst v63  }
0x20: {  	s21 =	sadd.s32 $0x0, s12  }
0x21: {  	[tilespmem:s17], [sflag:$0x3] =	stream.linear.gather [hbm4b:s21+s3], $0x50, $0x38;
	[tilespmem:$0x16900] =	vst v63  }
0x22: {  	_ =	swait.ge [sflag:s14], $0x50  }
0x23: {  	[sflag:s14] =	ssyncset.done $0x0  }
0x24: {  	[sflag:s14] =	ssyncadd.s32 $0xFFFFFFB0  }
0x25: {  	[spmem:s2] =	stream.indirect.scatter.add.f32 [tilespmem:s15], [sflag:$0x2], $0x80, s17, s16, $0xb8;
	[tilespmem:$0x16900] =	vst v63  }
0x26: {  	_ =	swait.ge [sflag:s18], $0x2800  }
0x27: {  	s31 =	sshrl.u32 s11, $0x3;
	[sflag:s18] =	ssyncset.done $0x0  }
0x28: {  	s21 =	sadd.s32 s4, s31;
	[sflag:s18] =	ssyncadd.s32 $0xFFFFD800  }
0x29: {  	[tilespmem:s3], [sflag:$0x3] =	stream.linear.gather [hbm4b:s21+s3], $0x50, $0x38;
	[tilespmem:$0x16900] =	vst v63  }
0x2a: {  	_ =	swait.ge [sflag:s14], $0x50  }
0x2b: {  	[sflag:s14] =	ssyncset.done $0x0  }
0x2c: {  	[sflag:s14] =	ssyncadd.s32 $0xFFFFFFB0  }
0x2d: {  	[spmem:s2] =	stream.indirect.scatter.add.f32 [tilespmem:s15], [sflag:$0x1], $0x80, s3, s16, $0xb8;
	[tilespmem:$0x16900] =	vst v63  }
0x2e: {  	s22 =	simm.s32 $0x14;
	_ =	swait.ge [sflag:s19], $0x2800  }
0x2f: {  	s23 =	simm.s32 $0x28;
	s21 =	sadd.s32 $0xA0, s11;
	[sflag:s19] =	ssyncset.done $0x0  }
.LBB2_2:
0x30: {  	s24 =	sadd.s32 s22, s12  }
0x31: {  	[sflag:s19] =	ssyncadd.s32 $0xFFFFD800;
	s22 =	smov.u32 s23;
	s25 =	sadd.s32 $0x14, s23  }
0x32: {  	[tilespmem:s17], [sflag:$0x3] =	stream.linear.gather [hbm4b:s24+s3], $0x50, $0x38;
	[tilespmem:$0x16900] =	vst v63  }
0x33: {  	p0 =	sne.s32 s23, $0x258;
	_ =	swait.ge [sflag:s14], $0x50  }
0x34: {  	[sflag:s14] =	ssyncset.done $0x0  }
0x35: {  	[sflag:s14] =	ssyncadd.s32 $0xFFFFFFB0  }
0x36: {  	[spmem:s2] =	stream.indirect.scatter.add.f32 [tilespmem:s15], [sflag:$0x2], $0x80, s17, s16, $0xb8;
	[tilespmem:$0x16900] =	vst v63  }
0x37: {  	_ =	swait.ge [sflag:s18], $0x2800  }
0x38: {  	s23 =	sshrl.u32 s21, $0x3;
	[sflag:s18] =	ssyncset.done $0x0  }
0x39: {  	s23 =	sadd.s32 s4, s23;
	[sflag:s18] =	ssyncadd.s32 $0xFFFFD800  }
0x3a: {  	[tilespmem:s3], [sflag:$0x3] =	stream.linear.gather [hbm4b:s23+s3], $0x50, $0x38;
	[tilespmem:$0x16900] =	vst v63  }
0x3b: {  	_ =	swait.ge [sflag:s14], $0x50  }
.Ltmp0:
0x3c: {  	[sflag:s14] =	ssyncset.done $0x0;
	(pc) =	sbr.rel @p0 .LBB2_2-.Ltmp0, $4  }
0x3d: {  	[sflag:s14] =	ssyncadd.s32 $0xFFFFFFB0  }
0x3e: {  	[spmem:s2] =	stream.indirect.scatter.add.f32 [tilespmem:s15], [sflag:$0x1], $0x80, s3, s16, $0xb8;
	[tilespmem:$0x16900] =	vst v63  }
0x3f: {  	_ =	swait.ge [sflag:s19], $0x2800  }
0x40: {  	s21 =	sadd.s32 $0xA0, s21;
	s23 =	smov.u32 s25;
	[sflag:s19] =	ssyncset.done $0x0  }
0x41: {  	s22 =	sadd.s32 s22, s12;
	[sflag:s19] =	ssyncadd.s32 $0xFFFFD800  }
0x42: {  	[tilespmem:s17], [sflag:$0x3] =	stream.linear.gather [hbm4b:s22+s3], $0x50, $0x38;
	[tilespmem:$0x16900] =	vst v63  }
0x43: {  	_ =	swait.ge [sflag:s14], $0x50  }
0x44: {  	[sflag:s14] =	ssyncset.done $0x0  }
0x45: {  	[sflag:s14] =	ssyncadd.s32 $0xFFFFFFB0  }
0x46: {  	[spmem:s2] =	stream.indirect.scatter.add.f32 [tilespmem:s15], [sflag:$0x2], $0x80, s17, s16, $0xb8;
	[tilespmem:$0x16900] =	vst v63  }
0x47: {  	_ =	swait.ge [sflag:s18], $0x2800  }
0x48: {  	s21 =	sshrl.u32 s21, $0x3;
	[sflag:s18] =	ssyncset.done $0x0  }
0x49: {  	s21 =	sadd.s32 s4, s21;
	[sflag:s18] =	ssyncadd.s32 $0xFFFFD800  }
0x4a: {  	[tilespmem:s3], [sflag:$0x3] =	stream.linear.gather [hbm4b:s21+s3], $0x50, $0x38;
	[tilespmem:$0x16900] =	vst v63  }
0x4b: {  	_ =	swait.ge [sflag:s14], $0x50  }
0x4c: {  	[sflag:s14] =	ssyncset.done $0x0  }
0x4d: {  	[sflag:s14] =	ssyncadd.s32 $0xFFFFFFB0  }
0x4e: {  	[spmem:s2] =	stream.indirect.scatter.add.f32 [tilespmem:s15], [sflag:$0x1], $0x80, s3, s16, $0xb8;
	[tilespmem:$0x16900] =	vst v63  }
0x4f: {  	_ =	swait.ge [sflag:s19], $0x2800  }
0x50: {  	[sflag:s19] =	ssyncset.done $0x0  }
0x51: {  	[sflag:s19] =	ssyncadd.s32 $0xFFFFD800  }
0x52: {  	_ =	swait.ge [sflag:s18], $0x2800  }
0x53: {  	s20 =	sadd.s32 $0x1, s20;
	[sflag:s18] =	ssyncset.done $0x0  }
0x54: {  	p0 =	sne.s32 s20, s10;
	[sflag:s18] =	ssyncadd.s32 $0xFFFFD800  }
.Ltmp1:
0x55: {  	[bflag:$0x0] =	sbarrier.arrive $0xFFFF;
	(pc) =	sbr.rel @p0 .LBB2_1-.Ltmp1, $4  }
0x56: {  	[hbm:s9], [sflag:s7] =	dma.local [spmem:s13], $0x2800  }
0x57: {  	_ =	swait.ge [sflag:s14], $0x2800  }
0x58: {  	[sflag:s14] =	ssyncset.done $0x0  }
0x59: {  	[sflag:s14] =	ssyncadd.s32 $0xFFFFD800  }
0x5a: {  	_ =	sfence.sel $0x180000  }
0x5b: {  	[bflag:$0x0] =	sbarrier.arrive $0xFFFF  }
0x5c: {  	p0 =	sne.s32 s1, $0x0;
	_ =	strace $0x9000004A  }
0x5d: {  	s0 =	sadd.s32 @!p0 $0x100000, s0;
	[bflag:$0x2] =	sbarrier.arrive $0xFFFF  }
0x5e: {  	[sflag:s0] =	ssyncadd.tile.s32 @!p0 $0x1;
	_ =	shalt  }
.Lfunc_end2:
_tile_overlayer_lowered:
.L_overlay_start_2:
0x5f: {  	(tag) =	ssettag $0x2  }
0x60: {  	s0 =	rddreg [dreg:$0x0];
	s2 =	stileid.u32  }
0x61: {  	s1 =	rddreg [dreg:$0x1];
	p0 =	sne.s32 s2, $0x0  }
0x62: {  	s3 =	rddreg [dreg:$0x2];
	[bflag:$0x3] =	sbarrier.arrive $0xFFFF;
	s2 =	simm.s32 @!p0 $0x1C03  }
0x63: {  	[timem:s3], [sflag:s2] =	dma.local @!p0 [hbm:s0], s1  }
0x64: {  	s0 =	simm.s32 @!p0 $0x3  }
0x65: {  	_ =	swait.ge @!p0 [sflag:s0], s1  }
0x66: {  	s1 =	ssub.s32 @!p0 $0x0, s1;
	[sflag:s0] =	ssyncset.done @!p0 $0x0  }
0x67: {  	[sflag:s0] =	ssyncadd.s32 @!p0 s1  }
0x68: {  	[bflag:$0x3] =	sbarrier.arrive $0xFFFF  }
0x69: {  	_ =	shalt  }

</sc_bundles>
